<compile_context>
chip_gen: v7x
topology: tpu7x:2x2x1
jax: 0.10.2.dev20260603
libtpu: 0.0.44.dev20260713+nightly
codegen_flags: <defaults>
</compile_context>

<pallas_src>
import functools

import jax
import jax.numpy as jnp
from jax import lax
from jax.experimental import pallas as pl
from jax.experimental.pallas import tpu as pltpu
from jax.experimental.pallas import tpu_sc as plsc

N = 10000
E = 160000
D = 256
H = 128
NT = 16
NPAD = 10240
K = 80
EP = E // NT
NCH = EP // K


def _make_sc_agg(compute_deg):
    mesh = plsc.VectorSubcoreMesh(core_axis_name="c", subcore_axis_name="s")
    out_type = [
        jax.ShapeDtypeStruct((NPAD, H), jnp.float32),
        jax.ShapeDtypeStruct((NPAD, H), jnp.float32),
        jax.ShapeDtypeStruct((NPAD,), jnp.float32),
    ]
    scratch = [
        pltpu.VMEM((EP,), jnp.int32),
        pltpu.VMEM((EP,), jnp.int32),
        pltpu.VMEM((K,), jnp.int32),
        pltpu.VMEM((K,), jnp.int32),
        pltpu.VMEM((K, H), jnp.float32),
        pltpu.VMEM((K, H), jnp.float32),
        pltpu.VMEM((K,), jnp.float32),
        pltpu.VMEM((640,), jnp.float32),
        pltpu.VMEM_SHARED((NPAD, H), jnp.float32),
        pltpu.VMEM_SHARED((NPAD,), jnp.float32),
        pltpu.SemaphoreType.DMA,
        pltpu.SemaphoreType.DMA,
        pltpu.SemaphoreType.DMA,
        pltpu.SemaphoreType.DMA,
    ]

    @functools.partial(pl.kernel, out_type=out_type, mesh=mesh,
                       scratch_types=scratch)
    def sc_agg(hcat, srcc_hbm, dst_hbm, zeros_hbm, agg0_hbm, agg1_hbm,
               deg_hbm, srcall, dstall, dstb0, dstb1, rows0, rows1, ones,
               zvec, acc, dacc, sem0, sem1, ssem0, ssem1):
        c = lax.axis_index("c")
        s = lax.axis_index("s")

        pltpu.sync_copy(srcc_hbm.at[pl.ds(c * E + s * EP, EP)], srcall)
        pltpu.sync_copy(dst_hbm.at[pl.ds(s * EP, EP)], dstall)

        z16 = jnp.zeros((16,), jnp.float32)
        for t in range(640 // 16):
            zvec[pl.ds(t * 16, 16)] = z16
        one16 = jnp.ones((16,), jnp.float32)
        for t in range(K // 16):
            ones[pl.ds(t * 16, 16)] = one16

        pltpu.sync_copy(zeros_hbm, acc.at[pl.ds(s * 640, 640)])
        pltpu.sync_copy(zvec, dacc.at[pl.ds(s * 640, 640)])
        plsc.subcore_barrier()

        def gather(i, rows, sem):
            return pltpu.async_copy(
                hcat.at[srcall.at[pl.ds(i * K, K)]], rows, sem)

        gather(0, rows0, sem0)

        def scat(i, rows, dstb, ssem):
            for t in range(K // 16):
                dstb[pl.ds(t * 16, 16)] = dstall[pl.ds(i * K + t * 16, 16)]

            @pl.when(i < NCH - 2)
            def _():
                pltpu.async_copy(rows, acc.at[dstb], ssem, add=True)

            @pl.when(i >= NCH - 2)
            def _():
                pltpu.sync_copy(rows, acc.at[dstb], add=True)
            if compute_deg:
                @pl.when(c == 0)
                def _():
                    pltpu.sync_copy(ones, dacc.at[dstb], add=True)

        def ebody(i, carry):
            nxt = i + 1

            @pl.when(jnp.logical_and(nxt < NCH, lax.rem(nxt, 2) == 1))
            def _():
                @pl.when(nxt >= 2)
                def _():
                    pltpu.make_async_copy(rows1, acc.at[dstb1], ssem1).wait()
                gather(nxt, rows1, sem1)

            @pl.when(jnp.logical_and(nxt < NCH, lax.rem(nxt, 2) == 0))
            def _():
                @pl.when(nxt >= 2)
                def _():
                    pltpu.make_async_copy(rows0, acc.at[dstb0], ssem0).wait()
                gather(nxt, rows0, sem0)

            @pl.when(lax.rem(i, 2) == 0)
            def _():
                pltpu.make_async_copy(
                    hcat.at[srcall.at[pl.ds(i * K, K)]], rows0, sem0).wait()
                scat(i, rows0, dstb0, ssem0)

            @pl.when(lax.rem(i, 2) == 1)
            def _():
                pltpu.make_async_copy(
                    hcat.at[srcall.at[pl.ds(i * K, K)]], rows1, sem1).wait()
                scat(i, rows1, dstb1, ssem1)
            return carry
        lax.fori_loop(0, NCH, ebody, 0)
        plsc.subcore_barrier()

        @pl.when(c == 0)
        def _():
            pltpu.sync_copy(acc.at[pl.ds(s * 640, 640)],
                            agg0_hbm.at[pl.ds(s * 640, 640)])
            pltpu.sync_copy(dacc.at[pl.ds(s * 640, 640)],
                            deg_hbm.at[pl.ds(s * 640, 640)])

        @pl.when(c == 1)
        def _():
            pltpu.sync_copy(acc.at[pl.ds(s * 640, 640)],
                            agg1_hbm.at[pl.ds(s * 640, 640)])

    return sc_agg


_sc_agg_deg = _make_sc_agg(True)
_sc_agg = _make_sc_agg(False)


BN = 1000


def _tc_common(hx0, hx1, a0, a1, dv, wt):
    neigh = dv > 0.0
    r = 1.0 / jnp.maximum(dv, 1.0)
    a0v = jnp.where(neigh, a0 * r, hx0)
    a1v = jnp.where(neigh, a1 * r, hx1)
    acc = (jnp.dot(hx0, wt[:H], preferred_element_type=jnp.float32)
           + jnp.dot(hx1, wt[H:2 * H], preferred_element_type=jnp.float32)
           + jnp.dot(a0v, wt[2 * H:3 * H], preferred_element_type=jnp.float32)
           + jnp.dot(a1v, wt[3 * H:], preferred_element_type=jnp.float32))
    return jnp.maximum(acc, 0.0)


def _tc_body1(xr, a0, a1, d, wt, o):
    xb = xr[...]
    acc = _tc_common(xb[:, :H], xb[:, H:], a0[...], a1[...], d[...], wt[...])
    o[:, 0, :] = acc[:, :H]
    o[:, 1, :] = acc[:, H:]


def _tc_body2(hp, a0, a1, d, wt, o):
    acc = _tc_common(hp[:, 0, :], hp[:, 1, :], a0[...], a1[...], d[...],
                     wt[...])
    o[...] = acc


_row = lambda i: (i, 0)
_agg_specs = [
    pl.BlockSpec((BN, H), _row),
    pl.BlockSpec((BN, H), _row),
    pl.BlockSpec((BN, 1), _row),
    pl.BlockSpec((2 * D, D), lambda i: (0, 0)),
]

_tc_pair = pl.pallas_call(
    _tc_body1,
    grid=(N // BN,),
    in_specs=[pl.BlockSpec((BN, D), _row)] + _agg_specs,
    out_specs=pl.BlockSpec((BN, 2, H), lambda i: (i, 0, 0)),
    out_shape=jax.ShapeDtypeStruct((N, 2, H), jnp.float32),
)

_tc_flat = pl.pallas_call(
    _tc_body2,
    grid=(N // BN,),
    in_specs=[pl.BlockSpec((BN, 2, H), lambda i: (i, 0, 0))] + _agg_specs,
    out_specs=pl.BlockSpec((BN, D), _row),
    out_shape=jax.ShapeDtypeStruct((N, D), jnp.float32),
)


def kernel(x, edge_index, W1, W2):
    src = edge_index[0].astype(jnp.int32)
    dst = edge_index[1].astype(jnp.int32)
    srcc = jnp.concatenate([src * 2, src * 2 + 1])
    hcat = x.reshape(2 * N, H)
    zeros = jnp.zeros((640, H), jnp.float32)

    agg0, agg1, deg = _sc_agg_deg(hcat, srcc, dst, zeros)
    deg2 = deg.reshape(NPAD, 1)

    hpair = _tc_pair(x, agg0, agg1, deg2, W1.T)

    hcat2 = hpair.reshape(2 * N, H)
    agg0b, agg1b, _ = _sc_agg(hcat2, srcc, dst, zeros)

    return _tc_flat(hpair, agg0b, agg1b, deg2, W2.T)

# --- scband reference (transcript-rebuilt; emitter-appended) ---
"""Pipeline reference for scband-graph-sage-29326036697119 (READ-ONLY COPY).

The authoritative reference and input builder live on the scoring server;
editing this copy changes nothing except your own understanding.
"""

import jax, jax.numpy as jnp
import numpy as np

N_NODES = 10000
N_EDGES = 160000
D_IN = 256
D_OUT = 256
NUM_LAYERS = 2


def setup_inputs(seed: int = 0) -> dict:
    key = jax.random.key(seed)
    k1, k2, k3, k4 = jax.random.split(key, 4)
    x = jax.random.normal(k1, (N_NODES, D_IN), dtype=jnp.float32)
    edge_index = jax.random.randint(k2, (2, N_EDGES), 0, N_NODES, dtype=jnp.int64)
    # SageLayer weights: weight has shape (out_size, 2*layer_in_size) since gcn=False.
    # Xavier-uniform init like nn.init.xavier_uniform_.
    def xavier(k, shape):
        fan_out, fan_in = shape
        limit = float(np.sqrt(6.0 / (fan_in + fan_out)))
        return jax.random.uniform(k, shape, dtype=jnp.float32, minval=-limit, maxval=limit)
    W1 = xavier(k3, (D_OUT, 2 * D_IN))
    W2 = xavier(k4, (D_OUT, 2 * D_OUT))
    return {"x": x, "edge_index": edge_index, "W1": W1, "W2": W2}


def reference(x, edge_index, W1, W2):
    # Faithful GraphSage with MEAN aggregator, gcn=False (concat self + neighbor mean),
    # relu(W @ combined.T).T per layer, for num_layers=2 layers.
    src = edge_index[0]
    dst = edge_index[1]
    h = x
    for W in (W1, W2):
        # mean aggregation of neighbor features onto destination nodes
        msgs = jnp.take(h, src, axis=0)                                   # gather [E, d]
        agg_sum = jax.ops.segment_sum(msgs, dst, num_segments=N_NODES)     # scatter-add [N, d]
        deg = jax.ops.segment_sum(jnp.ones((dst.shape[0],), dtype=h.dtype), dst, num_segments=N_NODES)
        # nodes with no in-edges keep their own features (mirrors new_aggregate_features fallback)
        has_neigh = deg > 0
        agg_mean = agg_sum / jnp.maximum(deg, 1.0)[:, None]
        agg = jnp.where(has_neigh[:, None], agg_mean, h)
        combined = jnp.concatenate([h, agg], axis=1)                       # [N, 2d]
        h = jax.nn.relu(combined @ W.T)                                    # [N, out]
    return h

if __name__ == "__main__":
    import jax
    _d = setup_inputs()
    print(jax.jit(kernel)(*tuple(_d.values())))

</pallas_src>

<mosaic_0001>
#map = affine_map<(d0, d1) -> (0, 0)>
#map1 = affine_map<(d0, d1) -> (0)>
module attributes {stable_mosaic.version = 14 : i64} {
  func.func @sc_agg(%arg0: i32, %arg1: i32, %arg2: memref<20000x128xf32, #tpu.memory_space<hbm>>, %arg3: memref<320000xi32, #tpu.memory_space<hbm>>, %arg4: memref<160000xi32, #tpu.memory_space<hbm>>, %arg5: memref<640x128xf32, #tpu.memory_space<hbm>>, %arg6: memref<10240x128xf32, #tpu.memory_space<hbm>>, %arg7: memref<10240x128xf32, #tpu.memory_space<hbm>>, %arg8: memref<10240xf32, #tpu.memory_space<hbm>>, %arg9: memref<10000xi32, #tpu.memory_space<vmem>>, %arg10: memref<10000xi32, #tpu.memory_space<vmem>>, %arg11: memref<80xi32, #tpu.memory_space<vmem>>, %arg12: memref<80xi32, #tpu.memory_space<vmem>>, %arg13: memref<80x128xf32, #tpu.memory_space<vmem>>, %arg14: memref<80x128xf32, #tpu.memory_space<vmem>>, %arg15: memref<80xf32, #tpu.memory_space<vmem>>, %arg16: memref<640xf32, #tpu.memory_space<vmem>>, %arg17: memref<10240x128xf32, #tpu.memory_space<vmem_shared>>, %arg18: memref<10240xf32, #tpu.memory_space<vmem_shared>>, %arg19: memref<!tpu.dma_semaphore, #tpu.memory_space<semaphore_mem>>, %arg20: memref<!tpu.dma_semaphore, #tpu.memory_space<semaphore_mem>>, %arg21: memref<!tpu.dma_semaphore, #tpu.memory_space<semaphore_mem>>, %arg22: memref<!tpu.dma_semaphore, #tpu.memory_space<semaphore_mem>>) attributes {dimension_semantics = [#tpu.dimension_semantics<core_parallel>, #tpu.dimension_semantics<subcore_parallel>], iteration_bounds = array<i64: 2, 16>, scalar_prefetch = 0 : i64, scratch_operands = 14 : i64, tpu.core_type = #tpu.core_type<sc_vector_subcore>, window_params = [{transform_indices = #map}, {transform_indices = #map1}, {transform_indices = #map1}, {transform_indices = #map}, {transform_indices = #map}, {transform_indices = #map}, {transform_indices = #map1}]} {
    %mul3A = arith.constant 160000 : i32
    %mul3A_0 = arith.muli %arg0, %mul3A : i32
    %mul3A_1 = arith.constant 10000 : i32
    %mul3A_2 = arith.muli %arg1, %mul3A_1 : i32
    %add3A = arith.addi %mul3A_0, %mul3A_2 : i32
    "tpu.region"() ({
      %run_scoped3A = tpu.sem_alloc : memref<!tpu.dma_semaphore, #tpu.memory_space<semaphore_mem>>
      %dma_start3A_208 = tpu.memref_slice %arg3[%add3A] : memref<320000xi32, #tpu.memory_space<hbm>> -> memref<10000xi32, #tpu.memory_space<hbm>>
      %dma_start3A_209 = tpu.memref_slice %arg3[%add3A] : memref<320000xi32, #tpu.memory_space<hbm>> -> memref<10000xi32, #tpu.memory_space<hbm>>
      tpu.enqueue_dma source(%dma_start3A_209 : memref<10000xi32, #tpu.memory_space<hbm>>) target(%arg9 : memref<10000xi32, #tpu.memory_space<vmem>>) target_semaphore(%run_scoped3A : memref<!tpu.dma_semaphore, #tpu.memory_space<semaphore_mem>>)
      %dma_wait3A = tpu.memref_slice %arg3[%add3A] : memref<320000xi32, #tpu.memory_space<hbm>> -> memref<10000xi32, #tpu.memory_space<hbm>>
      %dma_wait3A_210 = tpu.memref_slice %arg3[%add3A] : memref<320000xi32, #tpu.memory_space<hbm>> -> memref<10000xi32, #tpu.memory_space<hbm>>
      tpu.wait_dma2 semaphore(%run_scoped3A : memref<!tpu.dma_semaphore, #tpu.memory_space<semaphore_mem>>) src(%dma_wait3A_210 : memref<10000xi32, #tpu.memory_space<hbm>>) dst(%arg9 : memref<10000xi32, #tpu.memory_space<vmem>>)
      tpu.yield
    }) : () -> ()
    %mul3A_3 = arith.constant 10000 : i32
    %mul3A_4 = arith.muli %arg1, %mul3A_3 : i32
    "tpu.region"() ({
      %run_scoped3A = tpu.sem_alloc : memref<!tpu.dma_semaphore, #tpu.memory_space<semaphore_mem>>
      %dma_start3A_208 = tpu.memref_slice %arg4[%mul3A_4] : memref<160000xi32, #tpu.memory_space<hbm>> -> memref<10000xi32, #tpu.memory_space<hbm>>
      %dma_start3A_209 = tpu.memref_slice %arg4[%mul3A_4] : memref<160000xi32, #tpu.memory_space<hbm>> -> memref<10000xi32, #tpu.memory_space<hbm>>
      tpu.enqueue_dma source(%dma_start3A_209 : memref<10000xi32, #tpu.memory_space<hbm>>) target(%arg10 : memref<10000xi32, #tpu.memory_space<vmem>>) target_semaphore(%run_scoped3A : memref<!tpu.dma_semaphore, #tpu.memory_space<semaphore_mem>>)
      %dma_wait3A = tpu.memref_slice %arg4[%mul3A_4] : memref<160000xi32, #tpu.memory_space<hbm>> -> memref<10000xi32, #tpu.memory_space<hbm>>
      %dma_wait3A_210 = tpu.memref_slice %arg4[%mul3A_4] : memref<160000xi32, #tpu.memory_space<hbm>> -> memref<10000xi32, #tpu.memory_space<hbm>>
      tpu.wait_dma2 semaphore(%run_scoped3A : memref<!tpu.dma_semaphore, #tpu.memory_space<semaphore_mem>>) src(%dma_wait3A_210 : memref<10000xi32, #tpu.memory_space<hbm>>) dst(%arg10 : memref<10000xi32, #tpu.memory_space<vmem>>)
      tpu.yield
    }) : () -> ()
    %broadcast_in_dim3A = arith.constant 0.000000e+00 : f32
    %broadcast_in_dim3A_5 = vector.broadcast %broadcast_in_dim3A : f32 to vector<16xf32>
    %swap3A = arith.constant 0 : index
    %swap3A_6 = tpu.vector_load %arg16[%swap3A] {strides = array<i32>} : memref<640xf32, #tpu.memory_space<vmem>>, vector<16xf32>,
    %swap3A_7 = vector.shape_cast %swap3A_6 : vector<16xf32> to vector<16xf32>
    %swap3A_8 = vector.shape_cast %broadcast_in_dim3A_5 : vector<16xf32> to vector<16xf32>
    tpu.vector_store %arg16[%swap3A], %swap3A_8 {strides = array<i32>} : memref<640xf32, #tpu.memory_space<vmem>>, vector<16xf32>,
    %swap3A_9 = arith.constant 16 : index
    %swap3A_10 = tpu.vector_load %arg16[%swap3A_9] {strides = array<i32>} : memref<640xf32, #tpu.memory_space<vmem>>, vector<16xf32>,
    %swap3A_11 = vector.shape_cast %swap3A_10 : vector<16xf32> to vector<16xf32>
    %swap3A_12 = vector.shape_cast %broadcast_in_dim3A_5 : vector<16xf32> to vector<16xf32>
    tpu.vector_store %arg16[%swap3A_9], %swap3A_12 {strides = array<i32>} : memref<640xf32, #tpu.memory_space<vmem>>, vector<16xf32>,
    %swap3A_13 = arith.constant 32 : index
    %swap3A_14 = tpu.vector_load %arg16[%swap3A_13] {strides = array<i32>} : memref<640xf32, #tpu.memory_space<vmem>>, vector<16xf32>,
    %swap3A_15 = vector.shape_cast %swap3A_14 : vector<16xf32> to vector<16xf32>
    %swap3A_16 = vector.shape_cast %broadcast_in_dim3A_5 : vector<16xf32> to vector<16xf32>
    tpu.vector_store %arg16[%swap3A_13], %swap3A_16 {strides = array<i32>} : memref<640xf32, #tpu.memory_space<vmem>>, vector<16xf32>,
    %swap3A_17 = arith.constant 48 : index
    %swap3A_18 = tpu.vector_load %arg16[%swap3A_17] {strides = array<i32>} : memref<640xf32, #tpu.memory_space<vmem>>, vector<16xf32>,
    %swap3A_19 = vector.shape_cast %swap3A_18 : vector<16xf32> to vector<16xf32>
    %swap3A_20 = vector.shape_cast %broadcast_in_dim3A_5 : vector<16xf32> to vector<16xf32>
    tpu.vector_store %arg16[%swap3A_17], %swap3A_20 {strides = array<i32>} : memref<640xf32, #tpu.memory_space<vmem>>, vector<16xf32>,
    %swap3A_21 = arith.constant 64 : index
    %swap3A_22 = tpu.vector_load %arg16[%swap3A_21] {strides = array<i32>} : memref<640xf32, #tpu.memory_space<vmem>>, vector<16xf32>,
    %swap3A_23 = vector.shape_cast %swap3A_22 : vector<16xf32> to vector<16xf32>
    %swap3A_24 = vector.shape_cast %broadcast_in_dim3A_5 : vector<16xf32> to vector<16xf32>
    tpu.vector_store %arg16[%swap3A_21], %swap3A_24 {strides = array<i32>} : memref<640xf32, #tpu.memory_space<vmem>>, vector<16xf32>,
    %swap3A_25 = arith.constant 80 : index
    %swap3A_26 = tpu.vector_load %arg16[%swap3A_25] {strides = array<i32>} : memref<640xf32, #tpu.memory_space<vmem>>, vector<16xf32>,
    %swap3A_27 = vector.shape_cast %swap3A_26 : vector<16xf32> to vector<16xf32>
    %swap3A_28 = vector.shape_cast %broadcast_in_dim3A_5 : vector<16xf32> to vector<16xf32>
    tpu.vector_store %arg16[%swap3A_25], %swap3A_28 {strides = array<i32>} : memref<640xf32, #tpu.memory_space<vmem>>, vector<16xf32>,
    %swap3A_29 = arith.constant 96 : index
    %swap3A_30 = tpu.vector_load %arg16[%swap3A_29] {strides = array<i32>} : memref<640xf32, #tpu.memory_space<vmem>>, vector<16xf32>,
    %swap3A_31 = vector.shape_cast %swap3A_30 : vector<16xf32> to vector<16xf32>
    %swap3A_32 = vector.shape_cast %broadcast_in_dim3A_5 : vector<16xf32> to vector<16xf32>
    tpu.vector_store %arg16[%swap3A_29], %swap3A_32 {strides = array<i32>} : memref<640xf32, #tpu.memory_space<vmem>>, vector<16xf32>,
    %swap3A_33 = arith.constant 112 : index
    %swap3A_34 = tpu.vector_load %arg16[%swap3A_33] {strides = array<i32>} : memref<640xf32, #tpu.memory_space<vmem>>, vector<16xf32>,
    %swap3A_35 = vector.shape_cast %swap3A_34 : vector<16xf32> to vector<16xf32>
    %swap3A_36 = vector.shape_cast %broadcast_in_dim3A_5 : vector<16xf32> to vector<16xf32>
    tpu.vector_store %arg16[%swap3A_33], %swap3A_36 {strides = array<i32>} : memref<640xf32, #tpu.memory_space<vmem>>, vector<16xf32>,
    %swap3A_37 = arith.constant 128 : index
    %swap3A_38 = tpu.vector_load %arg16[%swap3A_37] {strides = array<i32>} : memref<640xf32, #tpu.memory_space<vmem>>, vector<16xf32>,
    %swap3A_39 = vector.shape_cast %swap3A_38 : vector<16xf32> to vector<16xf32>
    %swap3A_40 = vector.shape_cast %broadcast_in_dim3A_5 : vector<16xf32> to vector<16xf32>
    tpu.vector_store %arg16[%swap3A_37], %swap3A_40 {strides = array<i32>} : memref<640xf32, #tpu.memory_space<vmem>>, vector<16xf32>,
    %swap3A_41 = arith.constant 144 : index
    %swap3A_42 = tpu.vector_load %arg16[%swap3A_41] {strides = array<i32>} : memref<640xf32, #tpu.memory_space<vmem>>, vector<16xf32>,
    %swap3A_43 = vector.shape_cast %swap3A_42 : vector<16xf32> to vector<16xf32>
    %swap3A_44 = vector.shape_cast %broadcast_in_dim3A_5 : vector<16xf32> to vector<16xf32>
    tpu.vector_store %arg16[%swap3A_41], %swap3A_44 {strides = array<i32>} : memref<640xf32, #tpu.memory_space<vmem>>, vector<16xf32>,
    %swap3A_45 = arith.constant 160 : index
    %swap3A_46 = tpu.vector_load %arg16[%swap3A_45] {strides = array<i32>} : memref<640xf32, #tpu.memory_space<vmem>>, vector<16xf32>,
    %swap3A_47 = vector.shape_cast %swap3A_46 : vector<16xf32> to vector<16xf32>
    %swap3A_48 = vector.shape_cast %broadcast_in_dim3A_5 : vector<16xf32> to vector<16xf32>
    tpu.vector_store %arg16[%swap3A_45], %swap3A_48 {strides = array<i32>} : memref<640xf32, #tpu.memory_space<vmem>>, vector<16xf32>,
    %swap3A_49 = arith.constant 176 : index
    %swap3A_50 = tpu.vector_load %arg16[%swap3A_49] {strides = array<i32>} : memref<640xf32, #tpu.memory_space<vmem>>, vector<16xf32>,
    %swap3A_51 = vector.shape_cast %swap3A_50 : vector<16xf32> to vector<16xf32>
    %swap3A_52 = vector.shape_cast %broadcast_in_dim3A_5 : vector<16xf32> to vector<16xf32>
    tpu.vector_store %arg16[%swap3A_49], %swap3A_52 {strides = array<i32>} : memref<640xf32, #tpu.memory_space<vmem>>, vector<16xf32>,
    %swap3A_53 = arith.constant 192 : index
    %swap3A_54 = tpu.vector_load %arg16[%swap3A_53] {strides = array<i32>} : memref<640xf32, #tpu.memory_space<vmem>>, vector<16xf32>,
    %swap3A_55 = vector.shape_cast %swap3A_54 : vector<16xf32> to vector<16xf32>
    %swap3A_56 = vector.shape_cast %broadcast_in_dim3A_5 : vector<16xf32> to vector<16xf32>
    tpu.vector_store %arg16[%swap3A_53], %swap3A_56 {strides = array<i32>} : memref<640xf32, #tpu.memory_space<vmem>>, vector<16xf32>,
    %swap3A_57 = arith.constant 208 : index
    %swap3A_58 = tpu.vector_load %arg16[%swap3A_57] {strides = array<i32>} : memref<640xf32, #tpu.memory_space<vmem>>, vector<16xf32>,
    %swap3A_59 = vector.shape_cast %swap3A_58 : vector<16xf32> to vector<16xf32>
    %swap3A_60 = vector.shape_cast %broadcast_in_dim3A_5 : vector<16xf32> to vector<16xf32>
    tpu.vector_store %arg16[%swap3A_57], %swap3A_60 {strides = array<i32>} : memref<640xf32, #tpu.memory_space<vmem>>, vector<16xf32>,
    %swap3A_61 = arith.constant 224 : index
    %swap3A_62 = tpu.vector_load %arg16[%swap3A_61] {strides = array<i32>} : memref<640xf32, #tpu.memory_space<vmem>>, vector<16xf32>,
    %swap3A_63 = vector.shape_cast %swap3A_62 : vector<16xf32> to vector<16xf32>
    %swap3A_64 = vector.shape_cast %broadcast_in_dim3A_5 : vector<16xf32> to vector<16xf32>
    tpu.vector_store %arg16[%swap3A_61], %swap3A_64 {strides = array<i32>} : memref<640xf32, #tpu.memory_space<vmem>>, vector<16xf32>,
    %swap3A_65 = arith.constant 240 : index
    %swap3A_66 = tpu.vector_load %arg16[%swap3A_65] {strides = array<i32>} : memref<640xf32, #tpu.memory_space<vmem>>, vector<16xf32>,
    %swap3A_67 = vector.shape_cast %swap3A_66 : vector<16xf32> to vector<16xf32>
    %swap3A_68 = vector.shape_cast %broadcast_in_dim3A_5 : vector<16xf32> to vector<16xf32>
    tpu.vector_store %arg16[%swap3A_65], %swap3A_68 {strides = array<i32>} : memref<640xf32, #tpu.memory_space<vmem>>, vector<16xf32>,
    %swap3A_69 = arith.constant 256 : index
    %swap3A_70 = tpu.vector_load %arg16[%swap3A_69] {strides = array<i32>} : memref<640xf32, #tpu.memory_space<vmem>>, vector<16xf32>,
    %swap3A_71 = vector.shape_cast %swap3A_70 : vector<16xf32> to vector<16xf32>
    %swap3A_72 = vector.shape_cast %broadcast_in_dim3A_5 : vector<16xf32> to vector<16xf32>
    tpu.vector_store %arg16[%swap3A_69], %swap3A_72 {strides = array<i32>} : memref<640xf32, #tpu.memory_space<vmem>>, vector<16xf32>,
    %swap3A_73 = arith.constant 272 : index
    %swap3A_74 = tpu.vector_load %arg16[%swap3A_73] {strides = array<i32>} : memref<640xf32, #tpu.memory_space<vmem>>, vector<16xf32>,
    %swap3A_75 = vector.shape_cast %swap3A_74 : vector<16xf32> to vector<16xf32>
    %swap3A_76 = vector.shape_cast %broadcast_in_dim3A_5 : vector<16xf32> to vector<16xf32>
    tpu.vector_store %arg16[%swap3A_73], %swap3A_76 {strides = array<i32>} : memref<640xf32, #tpu.memory_space<vmem>>, vector<16xf32>,
    %swap3A_77 = arith.constant 288 : index
    %swap3A_78 = tpu.vector_load %arg16[%swap3A_77] {strides = array<i32>} : memref<640xf32, #tpu.memory_space<vmem>>, vector<16xf32>,
    %swap3A_79 = vector.shape_cast %swap3A_78 : vector<16xf32> to vector<16xf32>
    %swap3A_80 = vector.shape_cast %broadcast_in_dim3A_5 : vector<16xf32> to vector<16xf32>
    tpu.vector_store %arg16[%swap3A_77], %swap3A_80 {strides = array<i32>} : memref<640xf32, #tpu.memory_space<vmem>>, vector<16xf32>,
    %swap3A_81 = arith.constant 304 : index
    %swap3A_82 = tpu.vector_load %arg16[%swap3A_81] {strides = array<i32>} : memref<640xf32, #tpu.memory_space<vmem>>, vector<16xf32>,
    %swap3A_83 = vector.shape_cast %swap3A_82 : vector<16xf32> to vector<16xf32>
    %swap3A_84 = vector.shape_cast %broadcast_in_dim3A_5 : vector<16xf32> to vector<16xf32>
    tpu.vector_store %arg16[%swap3A_81], %swap3A_84 {strides = array<i32>} : memref<640xf32, #tpu.memory_space<vmem>>, vector<16xf32>,
    %swap3A_85 = arith.constant 320 : index
    %swap3A_86 = tpu.vector_load %arg16[%swap3A_85] {strides = array<i32>} : memref<640xf32, #tpu.memory_space<vmem>>, vector<16xf32>,
    %swap3A_87 = vector.shape_cast %swap3A_86 : vector<16xf32> to vector<16xf32>
    %swap3A_88 = vector.shape_cast %broadcast_in_dim3A_5 : vector<16xf32> to vector<16xf32>
    tpu.vector_store %arg16[%swap3A_85], %swap3A_88 {strides = array<i32>} : memref<640xf32, #tpu.memory_space<vmem>>, vector<16xf32>,
    %swap3A_89 = arith.constant 336 : index
    %swap3A_90 = tpu.vector_load %arg16[%swap3A_89] {strides = array<i32>} : memref<640xf32, #tpu.memory_space<vmem>>, vector<16xf32>,
    %swap3A_91 = vector.shape_cast %swap3A_90 : vector<16xf32> to vector<16xf32>
    %swap3A_92 = vector.shape_cast %broadcast_in_dim3A_5 : vector<16xf32> to vector<16xf32>
    tpu.vector_store %arg16[%swap3A_89], %swap3A_92 {strides = array<i32>} : memref<640xf32, #tpu.memory_space<vmem>>, vector<16xf32>,
    %swap3A_93 = arith.constant 352 : index
    %swap3A_94 = tpu.vector_load %arg16[%swap3A_93] {strides = array<i32>} : memref<640xf32, #tpu.memory_space<vmem>>, vector<16xf32>,
    %swap3A_95 = vector.shape_cast %swap3A_94 : vector<16xf32> to vector<16xf32>
    %swap3A_96 = vector.shape_cast %broadcast_in_dim3A_5 : vector<16xf32> to vector<16xf32>
    tpu.vector_store %arg16[%swap3A_93], %swap3A_96 {strides = array<i32>} : memref<640xf32, #tpu.memory_space<vmem>>, vector<16xf32>,
    %swap3A_97 = arith.constant 368 : index
    %swap3A_98 = tpu.vector_load %arg16[%swap3A_97] {strides = array<i32>} : memref<640xf32, #tpu.memory_space<vmem>>, vector<16xf32>,
    %swap3A_99 = vector.shape_cast %swap3A_98 : vector<16xf32> to vector<16xf32>
    %swap3A_100 = vector.shape_cast %broadcast_in_dim3A_5 : vector<16xf32> to vector<16xf32>
    tpu.vector_store %arg16[%swap3A_97], %swap3A_100 {strides = array<i32>} : memref<640xf32, #tpu.memory_space<vmem>>, vector<16xf32>,
    %swap3A_101 = arith.constant 384 : index
    %swap3A_102 = tpu.vector_load %arg16[%swap3A_101] {strides = array<i32>} : memref<640xf32, #tpu.memory_space<vmem>>, vector<16xf32>,
    %swap3A_103 = vector.shape_cast %swap3A_102 : vector<16xf32> to vector<16xf32>
    %swap3A_104 = vector.shape_cast %broadcast_in_dim3A_5 : vector<16xf32> to vector<16xf32>
    tpu.vector_store %arg16[%swap3A_101], %swap3A_104 {strides = array<i32>} : memref<640xf32, #tpu.memory_space<vmem>>, vector<16xf32>,
    %swap3A_105 = arith.constant 400 : index
    %swap3A_106 = tpu.vector_load %arg16[%swap3A_105] {strides = array<i32>} : memref<640xf32, #tpu.memory_space<vmem>>, vector<16xf32>,
    %swap3A_107 = vector.shape_cast %swap3A_106 : vector<16xf32> to vector<16xf32>
    %swap3A_108 = vector.shape_cast %broadcast_in_dim3A_5 : vector<16xf32> to vector<16xf32>
    tpu.vector_store %arg16[%swap3A_105], %swap3A_108 {strides = array<i32>} : memref<640xf32, #tpu.memory_space<vmem>>, vector<16xf32>,
    %swap3A_109 = arith.constant 416 : index
    %swap3A_110 = tpu.vector_load %arg16[%swap3A_109] {strides = array<i32>} : memref<640xf32, #tpu.memory_space<vmem>>, vector<16xf32>,
    %swap3A_111 = vector.shape_cast %swap3A_110 : vector<16xf32> to vector<16xf32>
    %swap3A_112 = vector.shape_cast %broadcast_in_dim3A_5 : vector<16xf32> to vector<16xf32>
    tpu.vector_store %arg16[%swap3A_109], %swap3A_112 {strides = array<i32>} : memref<640xf32, #tpu.memory_space<vmem>>, vector<16xf32>,
    %swap3A_113 = arith.constant 432 : index
    %swap3A_114 = tpu.vector_load %arg16[%swap3A_113] {strides = array<i32>} : memref<640xf32, #tpu.memory_space<vmem>>, vector<16xf32>,
    %swap3A_115 = vector.shape_cast %swap3A_114 : vector<16xf32> to vector<16xf32>
    %swap3A_116 = vector.shape_cast %broadcast_in_dim3A_5 : vector<16xf32> to vector<16xf32>
    tpu.vector_store %arg16[%swap3A_113], %swap3A_116 {strides = array<i32>} : memref<640xf32, #tpu.memory_space<vmem>>, vector<16xf32>,
    %swap3A_117 = arith.constant 448 : index
    %swap3A_118 = tpu.vector_load %arg16[%swap3A_117] {strides = array<i32>} : memref<640xf32, #tpu.memory_space<vmem>>, vector<16xf32>,
    %swap3A_119 = vector.shape_cast %swap3A_118 : vector<16xf32> to vector<16xf32>
    %swap3A_120 = vector.shape_cast %broadcast_in_dim3A_5 : vector<16xf32> to vector<16xf32>
    tpu.vector_store %arg16[%swap3A_117], %swap3A_120 {strides = array<i32>} : memref<640xf32, #tpu.memory_space<vmem>>, vector<16xf32>,
    %swap3A_121 = arith.constant 464 : index
    %swap3A_122 = tpu.vector_load %arg16[%swap3A_121] {strides = array<i32>} : memref<640xf32, #tpu.memory_space<vmem>>, vector<16xf32>,
    %swap3A_123 = vector.shape_cast %swap3A_122 : vector<16xf32> to vector<16xf32>
    %swap3A_124 = vector.shape_cast %broadcast_in_dim3A_5 : vector<16xf32> to vector<16xf32>
    tpu.vector_store %arg16[%swap3A_121], %swap3A_124 {strides = array<i32>} : memref<640xf32, #tpu.memory_space<vmem>>, vector<16xf32>,
    %swap3A_125 = arith.constant 480 : index
    %swap3A_126 = tpu.vector_load %arg16[%swap3A_125] {strides = array<i32>} : memref<640xf32, #tpu.memory_space<vmem>>, vector<16xf32>,
    %swap3A_127 = vector.shape_cast %swap3A_126 : vector<16xf32> to vector<16xf32>
    %swap3A_128 = vector.shape_cast %broadcast_in_dim3A_5 : vector<16xf32> to vector<16xf32>
    tpu.vector_store %arg16[%swap3A_125], %swap3A_128 {strides = array<i32>} : memref<640xf32, #tpu.memory_space<vmem>>, vector<16xf32>,
    %swap3A_129 = arith.constant 496 : index
    %swap3A_130 = tpu.vector_load %arg16[%swap3A_129] {strides = array<i32>} : memref<640xf32, #tpu.memory_space<vmem>>, vector<16xf32>,
    %swap3A_131 = vector.shape_cast %swap3A_130 : vector<16xf32> to vector<16xf32>
    %swap3A_132 = vector.shape_cast %broadcast_in_dim3A_5 : vector<16xf32> to vector<16xf32>
    tpu.vector_store %arg16[%swap3A_129], %swap3A_132 {strides = array<i32>} : memref<640xf32, #tpu.memory_space<vmem>>, vector<16xf32>,
    %swap3A_133 = arith.constant 512 : index
    %swap3A_134 = tpu.vector_load %arg16[%swap3A_133] {strides = array<i32>} : memref<640xf32, #tpu.memory_space<vmem>>, vector<16xf32>,
    %swap3A_135 = vector.shape_cast %swap3A_134 : vector<16xf32> to vector<16xf32>
    %swap3A_136 = vector.shape_cast %broadcast_in_dim3A_5 : vector<16xf32> to vector<16xf32>
    tpu.vector_store %arg16[%swap3A_133], %swap3A_136 {strides = array<i32>} : memref<640xf32, #tpu.memory_space<vmem>>, vector<16xf32>,
    %swap3A_137 = arith.constant 528 : index
    %swap3A_138 = tpu.vector_load %arg16[%swap3A_137] {strides = array<i32>} : memref<640xf32, #tpu.memory_space<vmem>>, vector<16xf32>,
    %swap3A_139 = vector.shape_cast %swap3A_138 : vector<16xf32> to vector<16xf32>
    %swap3A_140 = vector.shape_cast %broadcast_in_dim3A_5 : vector<16xf32> to vector<16xf32>
    tpu.vector_store %arg16[%swap3A_137], %swap3A_140 {strides = array<i32>} : memref<640xf32, #tpu.memory_space<vmem>>, vector<16xf32>,
    %swap3A_141 = arith.constant 544 : index
    %swap3A_142 = tpu.vector_load %arg16[%swap3A_141] {strides = array<i32>} : memref<640xf32, #tpu.memory_space<vmem>>, vector<16xf32>,
    %swap3A_143 = vector.shape_cast %swap3A_142 : vector<16xf32> to vector<16xf32>
    %swap3A_144 = vector.shape_cast %broadcast_in_dim3A_5 : vector<16xf32> to vector<16xf32>
    tpu.vector_store %arg16[%swap3A_141], %swap3A_144 {strides = array<i32>} : memref<640xf32, #tpu.memory_space<vmem>>, vector<16xf32>,
    %swap3A_145 = arith.constant 560 : index
    %swap3A_146 = tpu.vector_load %arg16[%swap3A_145] {strides = array<i32>} : memref<640xf32, #tpu.memory_space<vmem>>, vector<16xf32>,
    %swap3A_147 = vector.shape_cast %swap3A_146 : vector<16xf32> to vector<16xf32>
    %swap3A_148 = vector.shape_cast %broadcast_in_dim3A_5 : vector<16xf32> to vector<16xf32>
    tpu.vector_store %arg16[%swap3A_145], %swap3A_148 {strides = array<i32>} : memref<640xf32, #tpu.memory_space<vmem>>, vector<16xf32>,
    %swap3A_149 = arith.constant 576 : index
    %swap3A_150 = tpu.vector_load %arg16[%swap3A_149] {strides = array<i32>} : memref<640xf32, #tpu.memory_space<vmem>>, vector<16xf32>,
    %swap3A_151 = vector.shape_cast %swap3A_150 : vector<16xf32> to vector<16xf32>
    %swap3A_152 = vector.shape_cast %broadcast_in_dim3A_5 : vector<16xf32> to vector<16xf32>
    tpu.vector_store %arg16[%swap3A_149], %swap3A_152 {strides = array<i32>} : memref<640xf32, #tpu.memory_space<vmem>>, vector<16xf32>,
    %swap3A_153 = arith.constant 592 : index
    %swap3A_154 = tpu.vector_load %arg16[%swap3A_153] {strides = array<i32>} : memref<640xf32, #tpu.memory_space<vmem>>, vector<16xf32>,
    %swap3A_155 = vector.shape_cast %swap3A_154 : vector<16xf32> to vector<16xf32>
    %swap3A_156 = vector.shape_cast %broadcast_in_dim3A_5 : vector<16xf32> to vector<16xf32>
    tpu.vector_store %arg16[%swap3A_153], %swap3A_156 {strides = array<i32>} : memref<640xf32, #tpu.memory_space<vmem>>, vector<16xf32>,
    %swap3A_157 = arith.constant 608 : index
    %swap3A_158 = tpu.vector_load %arg16[%swap3A_157] {strides = array<i32>} : memref<640xf32, #tpu.memory_space<vmem>>, vector<16xf32>,
    %swap3A_159 = vector.shape_cast %swap3A_158 : vector<16xf32> to vector<16xf32>
    %swap3A_160 = vector.shape_cast %broadcast_in_dim3A_5 : vector<16xf32> to vector<16xf32>
    tpu.vector_store %arg16[%swap3A_157], %swap3A_160 {strides = array<i32>} : memref<640xf32, #tpu.memory_space<vmem>>, vector<16xf32>,
    %swap3A_161 = arith.constant 624 : index
    %swap3A_162 = tpu.vector_load %arg16[%swap3A_161] {strides = array<i32>} : memref<640xf32, #tpu.memory_space<vmem>>, vector<16xf32>,
    %swap3A_163 = vector.shape_cast %swap3A_162 : vector<16xf32> to vector<16xf32>
    %swap3A_164 = vector.shape_cast %broadcast_in_dim3A_5 : vector<16xf32> to vector<16xf32>
    tpu.vector_store %arg16[%swap3A_161], %swap3A_164 {strides = array<i32>} : memref<640xf32, #tpu.memory_space<vmem>>, vector<16xf32>,
    %broadcast_in_dim3A_165 = arith.constant 1.000000e+00 : f32
    %broadcast_in_dim3A_166 = vector.broadcast %broadcast_in_dim3A_165 : f32 to vector<16xf32>
    %swap3A_167 = arith.constant 0 : index
    %swap3A_168 = tpu.vector_load %arg15[%swap3A_167] {strides = array<i32>} : memref<80xf32, #tpu.memory_space<vmem>>, vector<16xf32>,
    %swap3A_169 = vector.shape_cast %swap3A_168 : vector<16xf32> to vector<16xf32>
    %swap3A_170 = vector.shape_cast %broadcast_in_dim3A_166 : vector<16xf32> to vector<16xf32>
    tpu.vector_store %arg15[%swap3A_167], %swap3A_170 {strides = array<i32>} : memref<80xf32, #tpu.memory_space<vmem>>, vector<16xf32>,
    %swap3A_171 = arith.constant 16 : index
    %swap3A_172 = tpu.vector_load %arg15[%swap3A_171] {strides = array<i32>} : memref<80xf32, #tpu.memory_space<vmem>>, vector<16xf32>,
    %swap3A_173 = vector.shape_cast %swap3A_172 : vector<16xf32> to vector<16xf32>
    %swap3A_174 = vector.shape_cast %broadcast_in_dim3A_166 : vector<16xf32> to vector<16xf32>
    tpu.vector_store %arg15[%swap3A_171], %swap3A_174 {strides = array<i32>} : memref<80xf32, #tpu.memory_space<vmem>>, vector<16xf32>,
    %swap3A_175 = arith.constant 32 : index
    %swap3A_176 = tpu.vector_load %arg15[%swap3A_175] {strides = array<i32>} : memref<80xf32, #tpu.memory_space<vmem>>, vector<16xf32>,
    %swap3A_177 = vector.shape_cast %swap3A_176 : vector<16xf32> to vector<16xf32>
    %swap3A_178 = vector.shape_cast %broadcast_in_dim3A_166 : vector<16xf32> to vector<16xf32>
    tpu.vector_store %arg15[%swap3A_175], %swap3A_178 {strides = array<i32>} : memref<80xf32, #tpu.memory_space<vmem>>, vector<16xf32>,
    %swap3A_179 = arith.constant 48 : index
    %swap3A_180 = tpu.vector_load %arg15[%swap3A_179] {strides = array<i32>} : memref<80xf32, #tpu.memory_space<vmem>>, vector<16xf32>,
    %swap3A_181 = vector.shape_cast %swap3A_180 : vector<16xf32> to vector<16xf32>
    %swap3A_182 = vector.shape_cast %broadcast_in_dim3A_166 : vector<16xf32> to vector<16xf32>
    tpu.vector_store %arg15[%swap3A_179], %swap3A_182 {strides = array<i32>} : memref<80xf32, #tpu.memory_space<vmem>>, vector<16xf32>,
    %swap3A_183 = arith.constant 64 : index
    %swap3A_184 = tpu.vector_load %arg15[%swap3A_183] {strides = array<i32>} : memref<80xf32, #tpu.memory_space<vmem>>, vector<16xf32>,
    %swap3A_185 = vector.shape_cast %swap3A_184 : vector<16xf32> to vector<16xf32>
    %swap3A_186 = vector.shape_cast %broadcast_in_dim3A_166 : vector<16xf32> to vector<16xf32>
    tpu.vector_store %arg15[%swap3A_183], %swap3A_186 {strides = array<i32>} : memref<80xf32, #tpu.memory_space<vmem>>, vector<16xf32>,
    %mul3A_187 = arith.constant 640 : i32
    %mul3A_188 = arith.muli %arg1, %mul3A_187 : i32
    "tpu.region"() ({
      %run_scoped3A = tpu.sem_alloc : memref<!tpu.dma_semaphore, #tpu.memory_space<semaphore_mem>>
      %dma_start3A_208 = arith.constant 0 : i32
      %dma_start3A_209 = tpu.memref_slice %arg17[%mul3A_188, %dma_start3A_208] : memref<10240x128xf32, #tpu.memory_space<vmem_shared>> -> memref<640x128xf32, #tpu.memory_space<vmem_shared>>
      tpu.enqueue_dma source(%arg5 : memref<640x128xf32, #tpu.memory_space<hbm>>) target(%dma_start3A_209 : memref<640x128xf32, #tpu.memory_space<vmem_shared>>) target_semaphore(%run_scoped3A : memref<!tpu.dma_semaphore, #tpu.memory_space<semaphore_mem>>)
      %dma_wait3A = arith.constant 0 : i32
      %dma_wait3A_210 = tpu.memref_slice %arg17[%mul3A_188, %dma_wait3A] : memref<10240x128xf32, #tpu.memory_space<vmem_shared>> -> memref<640x128xf32, #tpu.memory_space<vmem_shared>>
      tpu.wait_dma2 semaphore(%run_scoped3A : memref<!tpu.dma_semaphore, #tpu.memory_space<semaphore_mem>>) src(%arg5 : memref<640x128xf32, #tpu.memory_space<hbm>>) dst(%dma_wait3A_210 : memref<640x128xf32, #tpu.memory_space<vmem_shared>>)
      tpu.yield
    }) : () -> ()
    %mul3A_189 = arith.constant 640 : i32
    %mul3A_190 = arith.muli %arg1, %mul3A_189 : i32
    "tpu.region"() ({
      %run_scoped3A = tpu.sem_alloc : memref<!tpu.dma_semaphore, #tpu.memory_space<semaphore_mem>>
      %dma_start3A_208 = tpu.memref_slice %arg18[%mul3A_190] : memref<10240xf32, #tpu.memory_space<vmem_shared>> -> memref<640xf32, #tpu.memory_space<vmem_shared>>
      %dma_start3A_209 = tpu.memref_slice %arg18[%mul3A_190] : memref<10240xf32, #tpu.memory_space<vmem_shared>> -> memref<640xf32, #tpu.memory_space<vmem_shared>>
      tpu.enqueue_dma source(%arg16 : memref<640xf32, #tpu.memory_space<vmem>>) target(%dma_start3A_209 : memref<640xf32, #tpu.memory_space<vmem_shared>>) target_semaphore(%run_scoped3A : memref<!tpu.dma_semaphore, #tpu.memory_space<semaphore_mem>>)
      %dma_wait3A = tpu.memref_slice %arg18[%mul3A_190] : memref<10240xf32, #tpu.memory_space<vmem_shared>> -> memref<640xf32, #tpu.memory_space<vmem_shared>>
      %dma_wait3A_210 = tpu.memref_slice %arg18[%mul3A_190] : memref<10240xf32, #tpu.memory_space<vmem_shared>> -> memref<640xf32, #tpu.memory_space<vmem_shared>>
      tpu.wait_dma2 semaphore(%run_scoped3A : memref<!tpu.dma_semaphore, #tpu.memory_space<semaphore_mem>>) src(%arg16 : memref<640xf32, #tpu.memory_space<vmem>>) dst(%dma_wait3A_210 : memref<640xf32, #tpu.memory_space<vmem_shared>>)
      tpu.yield
    }) : () -> ()
    %barrier3A = arith.constant 0 : index
    tpu.barrier barrier_id(%barrier3A)
    %dma_start3A = arith.constant 0 : i32
    %dma_start3A_191 = tpu.memref_slice %arg9[%dma_start3A] : memref<10000xi32, #tpu.memory_space<vmem>> -> memref<80xi32, #tpu.memory_space<vmem>>
    %dma_start3A_192 = arith.constant 0 : i32
    %dma_start3A_193 = arith.constant 0 : i32
    %dma_start3A_194 = tpu.memref_slice %arg2[%dma_start3A_192, %dma_start3A_193] : memref<20000x128xf32, #tpu.memory_space<hbm>> -> memref<20000x128xf32, #tpu.memory_space<hbm>>
    tpu.enqueue_indirect_dma source(%dma_start3A_194 : memref<20000x128xf32, #tpu.memory_space<hbm>>) target(%arg13 : memref<80x128xf32, #tpu.memory_space<vmem>>) offsets(%dma_start3A_191 : memref<80xi32, #tpu.memory_space<vmem>>) semaphore(%arg19 : memref<!tpu.dma_semaphore, #tpu.memory_space<semaphore_mem>>)
    %scan3A = arith.constant 0 : i32
    %scan3A_195 = arith.constant 0 : i32
    %scan3A_196 = arith.constant 125 : i32
    %scan3A_197 = arith.addi %scan3A_195, %scan3A_196 : i32
    %scan3A_198 = arith.constant 1 : i32
    scf.for %scan3A_208 = %scan3A_195 to %scan3A_197 step %scan3A_198  : i32 {
      %add3A_209 = arith.constant 1 : i32
      %add3A_210 = arith.addi %scan3A_208, %add3A_209 : i32
      %lt3A = arith.constant 125 : i32
      %lt3A_211 = arith.cmpi slt, %add3A_210, %lt3A : i32
      %rem3A = arith.constant 2 : i32
      %rem3A_212 = arith.remsi %add3A_210, %rem3A : i32
      %eq3A_213 = arith.constant 1 : i32
      %eq3A_214 = arith.cmpi eq, %rem3A_212, %eq3A_213 : i32
      %and3A = arith.andi %lt3A_211, %eq3A_214 : i1
      %convert_element_type3A_215 = arith.extui %and3A : i1 to i32
      %cond3A_216 = arith.constant 0 : i32
      %cond3A_217 = arith.cmpi ne, %convert_element_type3A_215, %cond3A_216 : i32
      scf.if %cond3A_217 {
        %ge3A = arith.constant 2 : i32
        %ge3A_242 = arith.cmpi sge, %add3A_210, %ge3A : i32
        %convert_element_type3A_243 = arith.extui %ge3A_242 : i1 to i32
        %cond3A_244 = arith.constant 0 : i32
        %cond3A_245 = arith.cmpi ne, %convert_element_type3A_243, %cond3A_244 : i32
        scf.if %cond3A_245 {
          %dma_wait3A = arith.constant 0 : i32
          %dma_wait3A_252 = arith.constant 0 : i32
          %dma_wait3A_253 = tpu.memref_slice %arg17[%dma_wait3A, %dma_wait3A_252] : memref<10240x128xf32, #tpu.memory_space<vmem_shared>> -> memref<10240x128xf32, #tpu.memory_space<vmem_shared>>
          tpu.wait_indirect_dma semaphore(%arg22 : memref<!tpu.dma_semaphore, #tpu.memory_space<semaphore_mem>>) src(%arg14 : memref<80x128xf32, #tpu.memory_space<vmem>>) dst(%dma_wait3A_253 : memref<10240x128xf32, #tpu.memory_space<vmem_shared>>)
        } else {
        }
        %mul3A_246 = arith.constant 80 : i32
        %mul3A_247 = arith.muli %add3A_210, %mul3A_246 : i32
        %dma_start3A_248 = tpu.memref_slice %arg9[%mul3A_247] : memref<10000xi32, #tpu.memory_space<vmem>> -> memref<80xi32, #tpu.memory_space<vmem>>
        %dma_start3A_249 = arith.constant 0 : i32
        %dma_start3A_250 = arith.constant 0 : i32
        %dma_start3A_251 = tpu.memref_slice %arg2[%dma_start3A_249, %dma_start3A_250] : memref<20000x128xf32, #tpu.memory_space<hbm>> -> memref<20000x128xf32, #tpu.memory_space<hbm>>
        tpu.enqueue_indirect_dma source(%dma_start3A_251 : memref<20000x128xf32, #tpu.memory_space<hbm>>) target(%arg14 : memref<80x128xf32, #tpu.memory_space<vmem>>) offsets(%dma_start3A_248 : memref<80xi32, #tpu.memory_space<vmem>>) semaphore(%arg20 : memref<!tpu.dma_semaphore, #tpu.memory_space<semaphore_mem>>)
      } else {
      }
      %lt3A_218 = arith.constant 125 : i32
      %lt3A_219 = arith.cmpi slt, %add3A_210, %lt3A_218 : i32
      %rem3A_220 = arith.constant 2 : i32
      %rem3A_221 = arith.remsi %add3A_210, %rem3A_220 : i32
      %eq3A_222 = arith.constant 0 : i32
      %eq3A_223 = arith.cmpi eq, %rem3A_221, %eq3A_222 : i32
      %and3A_224 = arith.andi %lt3A_219, %eq3A_223 : i1
      %convert_element_type3A_225 = arith.extui %and3A_224 : i1 to i32
      %cond3A_226 = arith.constant 0 : i32
      %cond3A_227 = arith.cmpi ne, %convert_element_type3A_225, %cond3A_226 : i32
      scf.if %cond3A_227 {
        %ge3A = arith.constant 2 : i32
        %ge3A_242 = arith.cmpi sge, %add3A_210, %ge3A : i32
        %convert_element_type3A_243 = arith.extui %ge3A_242 : i1 to i32
        %cond3A_244 = arith.constant 0 : i32
        %cond3A_245 = arith.cmpi ne, %convert_element_type3A_243, %cond3A_244 : i32
        scf.if %cond3A_245 {
          %dma_wait3A = arith.constant 0 : i32
          %dma_wait3A_252 = arith.constant 0 : i32
          %dma_wait3A_253 = tpu.memref_slice %arg17[%dma_wait3A, %dma_wait3A_252] : memref<10240x128xf32, #tpu.memory_space<vmem_shared>> -> memref<10240x128xf32, #tpu.memory_space<vmem_shared>>
          tpu.wait_indirect_dma semaphore(%arg21 : memref<!tpu.dma_semaphore, #tpu.memory_space<semaphore_mem>>) src(%arg13 : memref<80x128xf32, #tpu.memory_space<vmem>>) dst(%dma_wait3A_253 : memref<10240x128xf32, #tpu.memory_space<vmem_shared>>)
        } else {
        }
        %mul3A_246 = arith.constant 80 : i32
        %mul3A_247 = arith.muli %add3A_210, %mul3A_246 : i32
        %dma_start3A_248 = tpu.memref_slice %arg9[%mul3A_247] : memref<10000xi32, #tpu.memory_space<vmem>> -> memref<80xi32, #tpu.memory_space<vmem>>
        %dma_start3A_249 = arith.constant 0 : i32
        %dma_start3A_250 = arith.constant 0 : i32
        %dma_start3A_251 = tpu.memref_slice %arg2[%dma_start3A_249, %dma_start3A_250] : memref<20000x128xf32, #tpu.memory_space<hbm>> -> memref<20000x128xf32, #tpu.memory_space<hbm>>
        tpu.enqueue_indirect_dma source(%dma_start3A_251 : memref<20000x128xf32, #tpu.memory_space<hbm>>) target(%arg13 : memref<80x128xf32, #tpu.memory_space<vmem>>) offsets(%dma_start3A_248 : memref<80xi32, #tpu.memory_space<vmem>>) semaphore(%arg19 : memref<!tpu.dma_semaphore, #tpu.memory_space<semaphore_mem>>)
      } else {
      }
      %rem3A_228 = arith.constant 2 : i32
      %rem3A_229 = arith.remsi %scan3A_208, %rem3A_228 : i32
      %eq3A_230 = arith.constant 0 : i32
      %eq3A_231 = arith.cmpi eq, %rem3A_229, %eq3A_230 : i32
      %convert_element_type3A_232 = arith.extui %eq3A_231 : i1 to i32
      %cond3A_233 = arith.constant 0 : i32
      %cond3A_234 = arith.cmpi ne, %convert_element_type3A_232, %cond3A_233 : i32
      scf.if %cond3A_234 {
        %mul3A_242 = arith.constant 80 : i32
        %mul3A_243 = arith.muli %scan3A_208, %mul3A_242 : i32
        %dma_wait3A = tpu.memref_slice %arg9[%mul3A_243] : memref<10000xi32, #tpu.memory_space<vmem>> -> memref<80xi32, #tpu.memory_space<vmem>>
        %dma_wait3A_244 = arith.constant 0 : i32
        %dma_wait3A_245 = arith.constant 0 : i32
        %dma_wait3A_246 = tpu.memref_slice %arg2[%dma_wait3A_244, %dma_wait3A_245] : memref<20000x128xf32, #tpu.memory_space<hbm>> -> memref<20000x128xf32, #tpu.memory_space<hbm>>
        tpu.wait_indirect_dma semaphore(%arg19 : memref<!tpu.dma_semaphore, #tpu.memory_space<semaphore_mem>>) src(%dma_wait3A_246 : memref<20000x128xf32, #tpu.memory_space<hbm>>) dst(%arg13 : memref<80x128xf32, #tpu.memory_space<vmem>>)
        %mul3A_247 = arith.constant 80 : i32
        %mul3A_248 = arith.muli %scan3A_208, %mul3A_247 : i32
        %add3A_249 = arith.constant 0 : i32
        %add3A_250 = arith.addi %mul3A_248, %add3A_249 : i32
        %get3A = arith.index_cast %add3A_250 : i32 to index
        %get3A_251 = tpu.vector_load %arg10[%get3A] {strides = array<i32>} : memref<10000xi32, #tpu.memory_space<vmem>>, vector<16xi32>,
        %get3A_252 = vector.shape_cast %get3A_251 : vector<16xi32> to vector<16xi32>
        %swap3A_253 = arith.constant 0 : index
        %swap3A_254 = tpu.vector_load %arg11[%swap3A_253] {strides = array<i32>} : memref<80xi32, #tpu.memory_space<vmem>>, vector<16xi32>,
        %swap3A_255 = vector.shape_cast %swap3A_254 : vector<16xi32> to vector<16xi32>
        %swap3A_256 = vector.shape_cast %get3A_252 : vector<16xi32> to vector<16xi32>
        tpu.vector_store %arg11[%swap3A_253], %swap3A_256 {strides = array<i32>} : memref<80xi32, #tpu.memory_space<vmem>>, vector<16xi32>,
        %mul3A_257 = arith.constant 80 : i32
        %mul3A_258 = arith.muli %scan3A_208, %mul3A_257 : i32
        %add3A_259 = arith.constant 16 : i32
        %add3A_260 = arith.addi %mul3A_258, %add3A_259 : i32
        %get3A_261 = arith.index_cast %add3A_260 : i32 to index
        %get3A_262 = tpu.vector_load %arg10[%get3A_261] {strides = array<i32>} : memref<10000xi32, #tpu.memory_space<vmem>>, vector<16xi32>,
        %get3A_263 = vector.shape_cast %get3A_262 : vector<16xi32> to vector<16xi32>
        %swap3A_264 = arith.constant 16 : index
        %swap3A_265 = tpu.vector_load %arg11[%swap3A_264] {strides = array<i32>} : memref<80xi32, #tpu.memory_space<vmem>>, vector<16xi32>,
        %swap3A_266 = vector.shape_cast %swap3A_265 : vector<16xi32> to vector<16xi32>
        %swap3A_267 = vector.shape_cast %get3A_263 : vector<16xi32> to vector<16xi32>
        tpu.vector_store %arg11[%swap3A_264], %swap3A_267 {strides = array<i32>} : memref<80xi32, #tpu.memory_space<vmem>>, vector<16xi32>,
        %mul3A_268 = arith.constant 80 : i32
        %mul3A_269 = arith.muli %scan3A_208, %mul3A_268 : i32
        %add3A_270 = arith.constant 32 : i32
        %add3A_271 = arith.addi %mul3A_269, %add3A_270 : i32
        %get3A_272 = arith.index_cast %add3A_271 : i32 to index
        %get3A_273 = tpu.vector_load %arg10[%get3A_272] {strides = array<i32>} : memref<10000xi32, #tpu.memory_space<vmem>>, vector<16xi32>,
        %get3A_274 = vector.shape_cast %get3A_273 : vector<16xi32> to vector<16xi32>
        %swap3A_275 = arith.constant 32 : index
        %swap3A_276 = tpu.vector_load %arg11[%swap3A_275] {strides = array<i32>} : memref<80xi32, #tpu.memory_space<vmem>>, vector<16xi32>,
        %swap3A_277 = vector.shape_cast %swap3A_276 : vector<16xi32> to vector<16xi32>
        %swap3A_278 = vector.shape_cast %get3A_274 : vector<16xi32> to vector<16xi32>
        tpu.vector_store %arg11[%swap3A_275], %swap3A_278 {strides = array<i32>} : memref<80xi32, #tpu.memory_space<vmem>>, vector<16xi32>,
        %mul3A_279 = arith.constant 80 : i32
        %mul3A_280 = arith.muli %scan3A_208, %mul3A_279 : i32
        %add3A_281 = arith.constant 48 : i32
        %add3A_282 = arith.addi %mul3A_280, %add3A_281 : i32
        %get3A_283 = arith.index_cast %add3A_282 : i32 to index
        %get3A_284 = tpu.vector_load %arg10[%get3A_283] {strides = array<i32>} : memref<10000xi32, #tpu.memory_space<vmem>>, vector<16xi32>,
        %get3A_285 = vector.shape_cast %get3A_284 : vector<16xi32> to vector<16xi32>
        %swap3A_286 = arith.constant 48 : index
        %swap3A_287 = tpu.vector_load %arg11[%swap3A_286] {strides = array<i32>} : memref<80xi32, #tpu.memory_space<vmem>>, vector<16xi32>,
        %swap3A_288 = vector.shape_cast %swap3A_287 : vector<16xi32> to vector<16xi32>
        %swap3A_289 = vector.shape_cast %get3A_285 : vector<16xi32> to vector<16xi32>
        tpu.vector_store %arg11[%swap3A_286], %swap3A_289 {strides = array<i32>} : memref<80xi32, #tpu.memory_space<vmem>>, vector<16xi32>,
        %mul3A_290 = arith.constant 80 : i32
        %mul3A_291 = arith.muli %scan3A_208, %mul3A_290 : i32
        %add3A_292 = arith.constant 64 : i32
        %add3A_293 = arith.addi %mul3A_291, %add3A_292 : i32
        %get3A_294 = arith.index_cast %add3A_293 : i32 to index
        %get3A_295 = tpu.vector_load %arg10[%get3A_294] {strides = array<i32>} : memref<10000xi32, #tpu.memory_space<vmem>>, vector<16xi32>,
        %get3A_296 = vector.shape_cast %get3A_295 : vector<16xi32> to vector<16xi32>
        %swap3A_297 = arith.constant 64 : index
        %swap3A_298 = tpu.vector_load %arg11[%swap3A_297] {strides = array<i32>} : memref<80xi32, #tpu.memory_space<vmem>>, vector<16xi32>,
        %swap3A_299 = vector.shape_cast %swap3A_298 : vector<16xi32> to vector<16xi32>
        %swap3A_300 = vector.shape_cast %get3A_296 : vector<16xi32> to vector<16xi32>
        tpu.vector_store %arg11[%swap3A_297], %swap3A_300 {strides = array<i32>} : memref<80xi32, #tpu.memory_space<vmem>>, vector<16xi32>,
        %lt3A_301 = arith.constant 123 : i32
        %lt3A_302 = arith.cmpi slt, %scan3A_208, %lt3A_301 : i32
        %convert_element_type3A_303 = arith.extui %lt3A_302 : i1 to i32
        %cond3A_304 = arith.constant 0 : i32
        %cond3A_305 = arith.cmpi ne, %convert_element_type3A_303, %cond3A_304 : i32
        scf.if %cond3A_305 {
          %dma_start3A_310 = arith.constant 0 : i32
          %dma_start3A_311 = arith.constant 0 : i32
          %dma_start3A_312 = tpu.memref_slice %arg17[%dma_start3A_310, %dma_start3A_311] : memref<10240x128xf32, #tpu.memory_space<vmem_shared>> -> memref<10240x128xf32, #tpu.memory_space<vmem_shared>>
          tpu.enqueue_indirect_dma source(%arg13 : memref<80x128xf32, #tpu.memory_space<vmem>>) target(%dma_start3A_312 : memref<10240x128xf32, #tpu.memory_space<vmem_shared>>) offsets(%arg11 : memref<80xi32, #tpu.memory_space<vmem>>) semaphore(%arg21 : memref<!tpu.dma_semaphore, #tpu.memory_space<semaphore_mem>>) {add = true}
        } else {
        }
        %ge3A = arith.constant 123 : i32
        %ge3A_306 = arith.cmpi sge, %scan3A_208, %ge3A : i32
        %convert_element_type3A_307 = arith.extui %ge3A_306 : i1 to i32
        %cond3A_308 = arith.constant 0 : i32
        %cond3A_309 = arith.cmpi ne, %convert_element_type3A_307, %cond3A_308 : i32
        scf.if %cond3A_309 {
          "tpu.region"() ({
            %run_scoped3A = tpu.sem_alloc : memref<!tpu.dma_semaphore, #tpu.memory_space<semaphore_mem>>
            %dma_start3A_310 = arith.constant 0 : i32
            %dma_start3A_311 = arith.constant 0 : i32
            %dma_start3A_312 = tpu.memref_slice %arg17[%dma_start3A_310, %dma_start3A_311] : memref<10240x128xf32, #tpu.memory_space<vmem_shared>> -> memref<10240x128xf32, #tpu.memory_space<vmem_shared>>
            tpu.enqueue_indirect_dma source(%arg13 : memref<80x128xf32, #tpu.memory_space<vmem>>) target(%dma_start3A_312 : memref<10240x128xf32, #tpu.memory_space<vmem_shared>>) offsets(%arg11 : memref<80xi32, #tpu.memory_space<vmem>>) semaphore(%run_scoped3A : memref<!tpu.dma_semaphore, #tpu.memory_space<semaphore_mem>>) {add = true}
            %dma_wait3A_313 = arith.constant 0 : i32
            %dma_wait3A_314 = arith.constant 0 : i32
            %dma_wait3A_315 = tpu.memref_slice %arg17[%dma_wait3A_313, %dma_wait3A_314] : memref<10240x128xf32, #tpu.memory_space<vmem_shared>> -> memref<10240x128xf32, #tpu.memory_space<vmem_shared>>
            tpu.wait_indirect_dma semaphore(%run_scoped3A : memref<!tpu.dma_semaphore, #tpu.memory_space<semaphore_mem>>) src(%arg13 : memref<80x128xf32, #tpu.memory_space<vmem>>) dst(%dma_wait3A_315 : memref<10240x128xf32, #tpu.memory_space<vmem_shared>>)
            tpu.yield
          }) : () -> ()
        } else {
        }
      } else {
      }
      %rem3A_235 = arith.constant 2 : i32
      %rem3A_236 = arith.remsi %scan3A_208, %rem3A_235 : i32
      %eq3A_237 = arith.constant 1 : i32
      %eq3A_238 = arith.cmpi eq, %rem3A_236, %eq3A_237 : i32
      %convert_element_type3A_239 = arith.extui %eq3A_238 : i1 to i32
      %cond3A_240 = arith.constant 0 : i32
      %cond3A_241 = arith.cmpi ne, %convert_element_type3A_239, %cond3A_240 : i32
      scf.if %cond3A_241 {
        %mul3A_242 = arith.constant 80 : i32
        %mul3A_243 = arith.muli %scan3A_208, %mul3A_242 : i32
        %dma_wait3A = tpu.memref_slice %arg9[%mul3A_243] : memref<10000xi32, #tpu.memory_space<vmem>> -> memref<80xi32, #tpu.memory_space<vmem>>
        %dma_wait3A_244 = arith.constant 0 : i32
        %dma_wait3A_245 = arith.constant 0 : i32
        %dma_wait3A_246 = tpu.memref_slice %arg2[%dma_wait3A_244, %dma_wait3A_245] : memref<20000x128xf32, #tpu.memory_space<hbm>> -> memref<20000x128xf32, #tpu.memory_space<hbm>>
        tpu.wait_indirect_dma semaphore(%arg20 : memref<!tpu.dma_semaphore, #tpu.memory_space<semaphore_mem>>) src(%dma_wait3A_246 : memref<20000x128xf32, #tpu.memory_space<hbm>>) dst(%arg14 : memref<80x128xf32, #tpu.memory_space<vmem>>)
        %mul3A_247 = arith.constant 80 : i32
        %mul3A_248 = arith.muli %scan3A_208, %mul3A_247 : i32
        %add3A_249 = arith.constant 0 : i32
        %add3A_250 = arith.addi %mul3A_248, %add3A_249 : i32
        %get3A = arith.index_cast %add3A_250 : i32 to index
        %get3A_251 = tpu.vector_load %arg10[%get3A] {strides = array<i32>} : memref<10000xi32, #tpu.memory_space<vmem>>, vector<16xi32>,
        %get3A_252 = vector.shape_cast %get3A_251 : vector<16xi32> to vector<16xi32>
        %swap3A_253 = arith.constant 0 : index
        %swap3A_254 = tpu.vector_load %arg12[%swap3A_253] {strides = array<i32>} : memref<80xi32, #tpu.memory_space<vmem>>, vector<16xi32>,
        %swap3A_255 = vector.shape_cast %swap3A_254 : vector<16xi32> to vector<16xi32>
        %swap3A_256 = vector.shape_cast %get3A_252 : vector<16xi32> to vector<16xi32>
        tpu.vector_store %arg12[%swap3A_253], %swap3A_256 {strides = array<i32>} : memref<80xi32, #tpu.memory_space<vmem>>, vector<16xi32>,
        %mul3A_257 = arith.constant 80 : i32
        %mul3A_258 = arith.muli %scan3A_208, %mul3A_257 : i32
        %add3A_259 = arith.constant 16 : i32
        %add3A_260 = arith.addi %mul3A_258, %add3A_259 : i32
        %get3A_261 = arith.index_cast %add3A_260 : i32 to index
        %get3A_262 = tpu.vector_load %arg10[%get3A_261] {strides = array<i32>} : memref<10000xi32, #tpu.memory_space<vmem>>, vector<16xi32>,
        %get3A_263 = vector.shape_cast %get3A_262 : vector<16xi32> to vector<16xi32>
        %swap3A_264 = arith.constant 16 : index
        %swap3A_265 = tpu.vector_load %arg12[%swap3A_264] {strides = array<i32>} : memref<80xi32, #tpu.memory_space<vmem>>, vector<16xi32>,
        %swap3A_266 = vector.shape_cast %swap3A_265 : vector<16xi32> to vector<16xi32>
        %swap3A_267 = vector.shape_cast %get3A_263 : vector<16xi32> to vector<16xi32>
        tpu.vector_store %arg12[%swap3A_264], %swap3A_267 {strides = array<i32>} : memref<80xi32, #tpu.memory_space<vmem>>, vector<16xi32>,
        %mul3A_268 = arith.constant 80 : i32
        %mul3A_269 = arith.muli %scan3A_208, %mul3A_268 : i32
        %add3A_270 = arith.constant 32 : i32
        %add3A_271 = arith.addi %mul3A_269, %add3A_270 : i32
        %get3A_272 = arith.index_cast %add3A_271 : i32 to index
        %get3A_273 = tpu.vector_load %arg10[%get3A_272] {strides = array<i32>} : memref<10000xi32, #tpu.memory_space<vmem>>, vector<16xi32>,
        %get3A_274 = vector.shape_cast %get3A_273 : vector<16xi32> to vector<16xi32>
        %swap3A_275 = arith.constant 32 : index
        %swap3A_276 = tpu.vector_load %arg12[%swap3A_275] {strides = array<i32>} : memref<80xi32, #tpu.memory_space<vmem>>, vector<16xi32>,
        %swap3A_277 = vector.shape_cast %swap3A_276 : vector<16xi32> to vector<16xi32>
        %swap3A_278 = vector.shape_cast %get3A_274 : vector<16xi32> to vector<16xi32>
        tpu.vector_store %arg12[%swap3A_275], %swap3A_278 {strides = array<i32>} : memref<80xi32, #tpu.memory_space<vmem>>, vector<16xi32>,
        %mul3A_279 = arith.constant 80 : i32
        %mul3A_280 = arith.muli %scan3A_208, %mul3A_279 : i32
        %add3A_281 = arith.constant 48 : i32
        %add3A_282 = arith.addi %mul3A_280, %add3A_281 : i32
        %get3A_283 = arith.index_cast %add3A_282 : i32 to index
        %get3A_284 = tpu.vector_load %arg10[%get3A_283] {strides = array<i32>} : memref<10000xi32, #tpu.memory_space<vmem>>, vector<16xi32>,
        %get3A_285 = vector.shape_cast %get3A_284 : vector<16xi32> to vector<16xi32>
        %swap3A_286 = arith.constant 48 : index
        %swap3A_287 = tpu.vector_load %arg12[%swap3A_286] {strides = array<i32>} : memref<80xi32, #tpu.memory_space<vmem>>, vector<16xi32>,
        %swap3A_288 = vector.shape_cast %swap3A_287 : vector<16xi32> to vector<16xi32>
        %swap3A_289 = vector.shape_cast %get3A_285 : vector<16xi32> to vector<16xi32>
        tpu.vector_store %arg12[%swap3A_286], %swap3A_289 {strides = array<i32>} : memref<80xi32, #tpu.memory_space<vmem>>, vector<16xi32>,
        %mul3A_290 = arith.constant 80 : i32
        %mul3A_291 = arith.muli %scan3A_208, %mul3A_290 : i32
        %add3A_292 = arith.constant 64 : i32
        %add3A_293 = arith.addi %mul3A_291, %add3A_292 : i32
        %get3A_294 = arith.index_cast %add3A_293 : i32 to index
        %get3A_295 = tpu.vector_load %arg10[%get3A_294] {strides = array<i32>} : memref<10000xi32, #tpu.memory_space<vmem>>, vector<16xi32>,
        %get3A_296 = vector.shape_cast %get3A_295 : vector<16xi32> to vector<16xi32>
        %swap3A_297 = arith.constant 64 : index
        %swap3A_298 = tpu.vector_load %arg12[%swap3A_297] {strides = array<i32>} : memref<80xi32, #tpu.memory_space<vmem>>, vector<16xi32>,
        %swap3A_299 = vector.shape_cast %swap3A_298 : vector<16xi32> to vector<16xi32>
        %swap3A_300 = vector.shape_cast %get3A_296 : vector<16xi32> to vector<16xi32>
        tpu.vector_store %arg12[%swap3A_297], %swap3A_300 {strides = array<i32>} : memref<80xi32, #tpu.memory_space<vmem>>, vector<16xi32>,
        %lt3A_301 = arith.constant 123 : i32
        %lt3A_302 = arith.cmpi slt, %scan3A_208, %lt3A_301 : i32
        %convert_element_type3A_303 = arith.extui %lt3A_302 : i1 to i32
        %cond3A_304 = arith.constant 0 : i32
        %cond3A_305 = arith.cmpi ne, %convert_element_type3A_303, %cond3A_304 : i32
        scf.if %cond3A_305 {
          %dma_start3A_310 = arith.constant 0 : i32
          %dma_start3A_311 = arith.constant 0 : i32
          %dma_start3A_312 = tpu.memref_slice %arg17[%dma_start3A_310, %dma_start3A_311] : memref<10240x128xf32, #tpu.memory_space<vmem_shared>> -> memref<10240x128xf32, #tpu.memory_space<vmem_shared>>
          tpu.enqueue_indirect_dma source(%arg14 : memref<80x128xf32, #tpu.memory_space<vmem>>) target(%dma_start3A_312 : memref<10240x128xf32, #tpu.memory_space<vmem_shared>>) offsets(%arg12 : memref<80xi32, #tpu.memory_space<vmem>>) semaphore(%arg22 : memref<!tpu.dma_semaphore, #tpu.memory_space<semaphore_mem>>) {add = true}
        } else {
        }
        %ge3A = arith.constant 123 : i32
        %ge3A_306 = arith.cmpi sge, %scan3A_208, %ge3A : i32
        %convert_element_type3A_307 = arith.extui %ge3A_306 : i1 to i32
        %cond3A_308 = arith.constant 0 : i32
        %cond3A_309 = arith.cmpi ne, %convert_element_type3A_307, %cond3A_308 : i32
        scf.if %cond3A_309 {
          "tpu.region"() ({
            %run_scoped3A = tpu.sem_alloc : memref<!tpu.dma_semaphore, #tpu.memory_space<semaphore_mem>>
            %dma_start3A_310 = arith.constant 0 : i32
            %dma_start3A_311 = arith.constant 0 : i32
            %dma_start3A_312 = tpu.memref_slice %arg17[%dma_start3A_310, %dma_start3A_311] : memref<10240x128xf32, #tpu.memory_space<vmem_shared>> -> memref<10240x128xf32, #tpu.memory_space<vmem_shared>>
            tpu.enqueue_indirect_dma source(%arg14 : memref<80x128xf32, #tpu.memory_space<vmem>>) target(%dma_start3A_312 : memref<10240x128xf32, #tpu.memory_space<vmem_shared>>) offsets(%arg12 : memref<80xi32, #tpu.memory_space<vmem>>) semaphore(%run_scoped3A : memref<!tpu.dma_semaphore, #tpu.memory_space<semaphore_mem>>) {add = true}
            %dma_wait3A_313 = arith.constant 0 : i32
            %dma_wait3A_314 = arith.constant 0 : i32
            %dma_wait3A_315 = tpu.memref_slice %arg17[%dma_wait3A_313, %dma_wait3A_314] : memref<10240x128xf32, #tpu.memory_space<vmem_shared>> -> memref<10240x128xf32, #tpu.memory_space<vmem_shared>>
            tpu.wait_indirect_dma semaphore(%run_scoped3A : memref<!tpu.dma_semaphore, #tpu.memory_space<semaphore_mem>>) src(%arg14 : memref<80x128xf32, #tpu.memory_space<vmem>>) dst(%dma_wait3A_315 : memref<10240x128xf32, #tpu.memory_space<vmem_shared>>)
            tpu.yield
          }) : () -> ()
        } else {
        }
      } else {
      }
    }
    %scan3A_199 = arith.constant 125 : i32
    %barrier3A_200 = arith.constant 0 : index
    tpu.barrier barrier_id(%barrier3A_200)
    %eq3A = arith.constant 0 : i32
    %eq3A_201 = arith.cmpi eq, %arg0, %eq3A : i32
    %convert_element_type3A = arith.extui %eq3A_201 : i1 to i32
    %cond3A = arith.constant 0 : i32
    %cond3A_202 = arith.cmpi ne, %convert_element_type3A, %cond3A : i32
    scf.if %cond3A_202 {
      %mul3A_208 = arith.constant 640 : i32
      %mul3A_209 = arith.muli %arg1, %mul3A_208 : i32
      %mul3A_210 = arith.constant 640 : i32
      %mul3A_211 = arith.muli %arg1, %mul3A_210 : i32
      "tpu.region"() ({
        %run_scoped3A = tpu.sem_alloc : memref<!tpu.dma_semaphore, #tpu.memory_space<semaphore_mem>>
        %dma_start3A_216 = arith.constant 0 : i32
        %dma_start3A_217 = tpu.memref_slice %arg6[%mul3A_211, %dma_start3A_216] : memref<10240x128xf32, #tpu.memory_space<hbm>> -> memref<640x128xf32, #tpu.memory_space<hbm>>
        %dma_start3A_218 = arith.constant 0 : i32
        %dma_start3A_219 = tpu.memref_slice %arg17[%mul3A_209, %dma_start3A_218] : memref<10240x128xf32, #tpu.memory_space<vmem_shared>> -> memref<640x128xf32, #tpu.memory_space<vmem_shared>>
        tpu.enqueue_dma source(%dma_start3A_219 : memref<640x128xf32, #tpu.memory_space<vmem_shared>>) target(%dma_start3A_217 : memref<640x128xf32, #tpu.memory_space<hbm>>) target_semaphore(%run_scoped3A : memref<!tpu.dma_semaphore, #tpu.memory_space<semaphore_mem>>)
        %dma_wait3A = arith.constant 0 : i32
        %dma_wait3A_220 = tpu.memref_slice %arg6[%mul3A_211, %dma_wait3A] : memref<10240x128xf32, #tpu.memory_space<hbm>> -> memref<640x128xf32, #tpu.memory_space<hbm>>
        %dma_wait3A_221 = arith.constant 0 : i32
        %dma_wait3A_222 = tpu.memref_slice %arg17[%mul3A_209, %dma_wait3A_221] : memref<10240x128xf32, #tpu.memory_space<vmem_shared>> -> memref<640x128xf32, #tpu.memory_space<vmem_shared>>
        tpu.wait_dma2 semaphore(%run_scoped3A : memref<!tpu.dma_semaphore, #tpu.memory_space<semaphore_mem>>) src(%dma_wait3A_222 : memref<640x128xf32, #tpu.memory_space<vmem_shared>>) dst(%dma_wait3A_220 : memref<640x128xf32, #tpu.memory_space<hbm>>)
        tpu.yield
      }) : () -> ()
      %mul3A_212 = arith.constant 640 : i32
      %mul3A_213 = arith.muli %arg1, %mul3A_212 : i32
      %mul3A_214 = arith.constant 640 : i32
      %mul3A_215 = arith.muli %arg1, %mul3A_214 : i32
      "tpu.region"() ({
        %run_scoped3A = tpu.sem_alloc : memref<!tpu.dma_semaphore, #tpu.memory_space<semaphore_mem>>
        %dma_start3A_216 = tpu.memref_slice %arg8[%mul3A_215] : memref<10240xf32, #tpu.memory_space<hbm>> -> memref<640xf32, #tpu.memory_space<hbm>>
        %dma_start3A_217 = tpu.memref_slice %arg18[%mul3A_213] : memref<10240xf32, #tpu.memory_space<vmem_shared>> -> memref<640xf32, #tpu.memory_space<vmem_shared>>
        tpu.enqueue_dma source(%dma_start3A_217 : memref<640xf32, #tpu.memory_space<vmem_shared>>) target(%dma_start3A_216 : memref<640xf32, #tpu.memory_space<hbm>>) target_semaphore(%run_scoped3A : memref<!tpu.dma_semaphore, #tpu.memory_space<semaphore_mem>>)
        %dma_wait3A = tpu.memref_slice %arg8[%mul3A_215] : memref<10240xf32, #tpu.memory_space<hbm>> -> memref<640xf32, #tpu.memory_space<hbm>>
        %dma_wait3A_218 = tpu.memref_slice %arg18[%mul3A_213] : memref<10240xf32, #tpu.memory_space<vmem_shared>> -> memref<640xf32, #tpu.memory_space<vmem_shared>>
        tpu.wait_dma2 semaphore(%run_scoped3A : memref<!tpu.dma_semaphore, #tpu.memory_space<semaphore_mem>>) src(%dma_wait3A_218 : memref<640xf32, #tpu.memory_space<vmem_shared>>) dst(%dma_wait3A : memref<640xf32, #tpu.memory_space<hbm>>)
        tpu.yield
      }) : () -> ()
    } else {
    }
    %eq3A_203 = arith.constant 1 : i32
    %eq3A_204 = arith.cmpi eq, %arg0, %eq3A_203 : i32
    %convert_element_type3A_205 = arith.extui %eq3A_204 : i1 to i32
    %cond3A_206 = arith.constant 0 : i32
    %cond3A_207 = arith.cmpi ne, %convert_element_type3A_205, %cond3A_206 : i32
    scf.if %cond3A_207 {
      %mul3A_208 = arith.constant 640 : i32
      %mul3A_209 = arith.muli %arg1, %mul3A_208 : i32
      %mul3A_210 = arith.constant 640 : i32
      %mul3A_211 = arith.muli %arg1, %mul3A_210 : i32
      "tpu.region"() ({
        %run_scoped3A = tpu.sem_alloc : memref<!tpu.dma_semaphore, #tpu.memory_space<semaphore_mem>>
        %dma_start3A_212 = arith.constant 0 : i32
        %dma_start3A_213 = tpu.memref_slice %arg7[%mul3A_211, %dma_start3A_212] : memref<10240x128xf32, #tpu.memory_space<hbm>> -> memref<640x128xf32, #tpu.memory_space<hbm>>
        %dma_start3A_214 = arith.constant 0 : i32
        %dma_start3A_215 = tpu.memref_slice %arg17[%mul3A_209, %dma_start3A_214] : memref<10240x128xf32, #tpu.memory_space<vmem_shared>> -> memref<640x128xf32, #tpu.memory_space<vmem_shared>>
        tpu.enqueue_dma source(%dma_start3A_215 : memref<640x128xf32, #tpu.memory_space<vmem_shared>>) target(%dma_start3A_213 : memref<640x128xf32, #tpu.memory_space<hbm>>) target_semaphore(%run_scoped3A : memref<!tpu.dma_semaphore, #tpu.memory_space<semaphore_mem>>)
        %dma_wait3A = arith.constant 0 : i32
        %dma_wait3A_216 = tpu.memref_slice %arg7[%mul3A_211, %dma_wait3A] : memref<10240x128xf32, #tpu.memory_space<hbm>> -> memref<640x128xf32, #tpu.memory_space<hbm>>
        %dma_wait3A_217 = arith.constant 0 : i32
        %dma_wait3A_218 = tpu.memref_slice %arg17[%mul3A_209, %dma_wait3A_217] : memref<10240x128xf32, #tpu.memory_space<vmem_shared>> -> memref<640x128xf32, #tpu.memory_space<vmem_shared>>
        tpu.wait_dma2 semaphore(%run_scoped3A : memref<!tpu.dma_semaphore, #tpu.memory_space<semaphore_mem>>) src(%dma_wait3A_218 : memref<640x128xf32, #tpu.memory_space<vmem_shared>>) dst(%dma_wait3A_216 : memref<640x128xf32, #tpu.memory_space<hbm>>)
        tpu.yield
      }) : () -> ()
    } else {
    }
    return
  }
}

#map = affine_map<(d0, d1) -> (0, 0)>
#map1 = affine_map<(d0, d1) -> (0)>
module attributes {stable_mosaic.version = 14 : i64} {
  func.func @sc_agg(%arg0: i32, %arg1: i32, %arg2: memref<20000x128xf32, #tpu.memory_space<hbm>>, %arg3: memref<320000xi32, #tpu.memory_space<hbm>>, %arg4: memref<160000xi32, #tpu.memory_space<hbm>>, %arg5: memref<640x128xf32, #tpu.memory_space<hbm>>, %arg6: memref<10240x128xf32, #tpu.memory_space<hbm>>, %arg7: memref<10240x128xf32, #tpu.memory_space<hbm>>, %arg8: memref<10240xf32, #tpu.memory_space<hbm>>, %arg9: memref<10000xi32, #tpu.memory_space<vmem>>, %arg10: memref<10000xi32, #tpu.memory_space<vmem>>, %arg11: memref<80xi32, #tpu.memory_space<vmem>>, %arg12: memref<80xi32, #tpu.memory_space<vmem>>, %arg13: memref<80x128xf32, #tpu.memory_space<vmem>>, %arg14: memref<80x128xf32, #tpu.memory_space<vmem>>, %arg15: memref<80xf32, #tpu.memory_space<vmem>>, %arg16: memref<640xf32, #tpu.memory_space<vmem>>, %arg17: memref<10240x128xf32, #tpu.memory_space<vmem_shared>>, %arg18: memref<10240xf32, #tpu.memory_space<vmem_shared>>, %arg19: memref<!tpu.dma_semaphore, #tpu.memory_space<semaphore_mem>>, %arg20: memref<!tpu.dma_semaphore, #tpu.memory_space<semaphore_mem>>, %arg21: memref<!tpu.dma_semaphore, #tpu.memory_space<semaphore_mem>>, %arg22: memref<!tpu.dma_semaphore, #tpu.memory_space<semaphore_mem>>) attributes {dimension_semantics = [#tpu.dimension_semantics<core_parallel>, #tpu.dimension_semantics<subcore_parallel>], iteration_bounds = array<i64: 2, 16>, scalar_prefetch = 0 : i64, scratch_operands = 14 : i64, tpu.core_type = #tpu.core_type<sc_vector_subcore>, window_params = [{transform_indices = #map}, {transform_indices = #map1}, {transform_indices = #map1}, {transform_indices = #map}, {transform_indices = #map}, {transform_indices = #map}, {transform_indices = #map1}]} {
    %mul3A = arith.constant 160000 : i32
    %mul3A_0 = arith.muli %arg0, %mul3A : i32
    %mul3A_1 = arith.constant 10000 : i32
    %mul3A_2 = arith.muli %arg1, %mul3A_1 : i32
    %add3A = arith.addi %mul3A_0, %mul3A_2 : i32
    "tpu.region"() ({
      %run_scoped3A = tpu.sem_alloc : memref<!tpu.dma_semaphore, #tpu.memory_space<semaphore_mem>>
      %dma_start3A_208 = tpu.memref_slice %arg3[%add3A] : memref<320000xi32, #tpu.memory_space<hbm>> -> memref<10000xi32, #tpu.memory_space<hbm>>
      %dma_start3A_209 = tpu.memref_slice %arg3[%add3A] : memref<320000xi32, #tpu.memory_space<hbm>> -> memref<10000xi32, #tpu.memory_space<hbm>>
      tpu.enqueue_dma source(%dma_start3A_209 : memref<10000xi32, #tpu.memory_space<hbm>>) target(%arg9 : memref<10000xi32, #tpu.memory_space<vmem>>) target_semaphore(%run_scoped3A : memref<!tpu.dma_semaphore, #tpu.memory_space<semaphore_mem>>)
      %dma_wait3A = tpu.memref_slice %arg3[%add3A] : memref<320000xi32, #tpu.memory_space<hbm>> -> memref<10000xi32, #tpu.memory_space<hbm>>
      %dma_wait3A_210 = tpu.memref_slice %arg3[%add3A] : memref<320000xi32, #tpu.memory_space<hbm>> -> memref<10000xi32, #tpu.memory_space<hbm>>
      tpu.wait_dma2 semaphore(%run_scoped3A : memref<!tpu.dma_semaphore, #tpu.memory_space<semaphore_mem>>) src(%dma_wait3A_210 : memref<10000xi32, #tpu.memory_space<hbm>>) dst(%arg9 : memref<10000xi32, #tpu.memory_space<vmem>>)
      tpu.yield
    }) : () -> ()
    %mul3A_3 = arith.constant 10000 : i32
    %mul3A_4 = arith.muli %arg1, %mul3A_3 : i32
    "tpu.region"() ({
      %run_scoped3A = tpu.sem_alloc : memref<!tpu.dma_semaphore, #tpu.memory_space<semaphore_mem>>
      %dma_start3A_208 = tpu.memref_slice %arg4[%mul3A_4] : memref<160000xi32, #tpu.memory_space<hbm>> -> memref<10000xi32, #tpu.memory_space<hbm>>
      %dma_start3A_209 = tpu.memref_slice %arg4[%mul3A_4] : memref<160000xi32, #tpu.memory_space<hbm>> -> memref<10000xi32, #tpu.memory_space<hbm>>
      tpu.enqueue_dma source(%dma_start3A_209 : memref<10000xi32, #tpu.memory_space<hbm>>) target(%arg10 : memref<10000xi32, #tpu.memory_space<vmem>>) target_semaphore(%run_scoped3A : memref<!tpu.dma_semaphore, #tpu.memory_space<semaphore_mem>>)
      %dma_wait3A = tpu.memref_slice %arg4[%mul3A_4] : memref<160000xi32, #tpu.memory_space<hbm>> -> memref<10000xi32, #tpu.memory_space<hbm>>
      %dma_wait3A_210 = tpu.memref_slice %arg4[%mul3A_4] : memref<160000xi32, #tpu.memory_space<hbm>> -> memref<10000xi32, #tpu.memory_space<hbm>>
      tpu.wait_dma2 semaphore(%run_scoped3A : memref<!tpu.dma_semaphore, #tpu.memory_space<semaphore_mem>>) src(%dma_wait3A_210 : memref<10000xi32, #tpu.memory_space<hbm>>) dst(%arg10 : memref<10000xi32, #tpu.memory_space<vmem>>)
      tpu.yield
    }) : () -> ()
    %broadcast_in_dim3A = arith.constant 0.000000e+00 : f32
    %broadcast_in_dim3A_5 = vector.broadcast %broadcast_in_dim3A : f32 to vector<16xf32>
    %swap3A = arith.constant 0 : index
    %swap3A_6 = tpu.vector_load %arg16[%swap3A] {strides = array<i32>} : memref<640xf32, #tpu.memory_space<vmem>>, vector<16xf32>,
    %swap3A_7 = vector.shape_cast %swap3A_6 : vector<16xf32> to vector<16xf32>
    %swap3A_8 = vector.shape_cast %broadcast_in_dim3A_5 : vector<16xf32> to vector<16xf32>
    tpu.vector_store %arg16[%swap3A], %swap3A_8 {strides = array<i32>} : memref<640xf32, #tpu.memory_space<vmem>>, vector<16xf32>,
    %swap3A_9 = arith.constant 16 : index
    %swap3A_10 = tpu.vector_load %arg16[%swap3A_9] {strides = array<i32>} : memref<640xf32, #tpu.memory_space<vmem>>, vector<16xf32>,
    %swap3A_11 = vector.shape_cast %swap3A_10 : vector<16xf32> to vector<16xf32>
    %swap3A_12 = vector.shape_cast %broadcast_in_dim3A_5 : vector<16xf32> to vector<16xf32>
    tpu.vector_store %arg16[%swap3A_9], %swap3A_12 {strides = array<i32>} : memref<640xf32, #tpu.memory_space<vmem>>, vector<16xf32>,
    %swap3A_13 = arith.constant 32 : index
    %swap3A_14 = tpu.vector_load %arg16[%swap3A_13] {strides = array<i32>} : memref<640xf32, #tpu.memory_space<vmem>>, vector<16xf32>,
    %swap3A_15 = vector.shape_cast %swap3A_14 : vector<16xf32> to vector<16xf32>
    %swap3A_16 = vector.shape_cast %broadcast_in_dim3A_5 : vector<16xf32> to vector<16xf32>
    tpu.vector_store %arg16[%swap3A_13], %swap3A_16 {strides = array<i32>} : memref<640xf32, #tpu.memory_space<vmem>>, vector<16xf32>,
    %swap3A_17 = arith.constant 48 : index
    %swap3A_18 = tpu.vector_load %arg16[%swap3A_17] {strides = array<i32>} : memref<640xf32, #tpu.memory_space<vmem>>, vector<16xf32>,
    %swap3A_19 = vector.shape_cast %swap3A_18 : vector<16xf32> to vector<16xf32>
    %swap3A_20 = vector.shape_cast %broadcast_in_dim3A_5 : vector<16xf32> to vector<16xf32>
    tpu.vector_store %arg16[%swap3A_17], %swap3A_20 {strides = array<i32>} : memref<640xf32, #tpu.memory_space<vmem>>, vector<16xf32>,
    %swap3A_21 = arith.constant 64 : index
    %swap3A_22 = tpu.vector_load %arg16[%swap3A_21] {strides = array<i32>} : memref<640xf32, #tpu.memory_space<vmem>>, vector<16xf32>,
    %swap3A_23 = vector.shape_cast %swap3A_22 : vector<16xf32> to vector<16xf32>
    %swap3A_24 = vector.shape_cast %broadcast_in_dim3A_5 : vector<16xf32> to vector<16xf32>
    tpu.vector_store %arg16[%swap3A_21], %swap3A_24 {strides = array<i32>} : memref<640xf32, #tpu.memory_space<vmem>>, vector<16xf32>,
    %swap3A_25 = arith.constant 80 : index
    %swap3A_26 = tpu.vector_load %arg16[%swap3A_25] {strides = array<i32>} : memref<640xf32, #tpu.memory_space<vmem>>, vector<16xf32>,
    %swap3A_27 = vector.shape_cast %swap3A_26 : vector<16xf32> to vector<16xf32>
    %swap3A_28 = vector.shape_cast %broadcast_in_dim3A_5 : vector<16xf32> to vector<16xf32>
    tpu.vector_store %arg16[%swap3A_25], %swap3A_28 {strides = array<i32>} : memref<640xf32, #tpu.memory_space<vmem>>, vector<16xf32>,
    %swap3A_29 = arith.constant 96 : index
    %swap3A_30 = tpu.vector_load %arg16[%swap3A_29] {strides = array<i32>} : memref<640xf32, #tpu.memory_space<vmem>>, vector<16xf32>,
    %swap3A_31 = vector.shape_cast %swap3A_30 : vector<16xf32> to vector<16xf32>
    %swap3A_32 = vector.shape_cast %broadcast_in_dim3A_5 : vector<16xf32> to vector<16xf32>
    tpu.vector_store %arg16[%swap3A_29], %swap3A_32 {strides = array<i32>} : memref<640xf32, #tpu.memory_space<vmem>>, vector<16xf32>,
    %swap3A_33 = arith.constant 112 : index
    %swap3A_34 = tpu.vector_load %arg16[%swap3A_33] {strides = array<i32>} : memref<640xf32, #tpu.memory_space<vmem>>, vector<16xf32>,
    %swap3A_35 = vector.shape_cast %swap3A_34 : vector<16xf32> to vector<16xf32>
    %swap3A_36 = vector.shape_cast %broadcast_in_dim3A_5 : vector<16xf32> to vector<16xf32>
    tpu.vector_store %arg16[%swap3A_33], %swap3A_36 {strides = array<i32>} : memref<640xf32, #tpu.memory_space<vmem>>, vector<16xf32>,
    %swap3A_37 = arith.constant 128 : index
    %swap3A_38 = tpu.vector_load %arg16[%swap3A_37] {strides = array<i32>} : memref<640xf32, #tpu.memory_space<vmem>>, vector<16xf32>,
    %swap3A_39 = vector.shape_cast %swap3A_38 : vector<16xf32> to vector<16xf32>
    %swap3A_40 = vector.shape_cast %broadcast_in_dim3A_5 : vector<16xf32> to vector<16xf32>
    tpu.vector_store %arg16[%swap3A_37], %swap3A_40 {strides = array<i32>} : memref<640xf32, #tpu.memory_space<vmem>>, vector<16xf32>,
    %swap3A_41 = arith.constant 144 : index
    %swap3A_42 = tpu.vector_load %arg16[%swap3A_41] {strides = array<i32>} : memref<640xf32, #tpu.memory_space<vmem>>, vector<16xf32>,
    %swap3A_43 = vector.shape_cast %swap3A_42 : vector<16xf32> to vector<16xf32>
    %swap3A_44 = vector.shape_cast %broadcast_in_dim3A_5 : vector<16xf32> to vector<16xf32>
    tpu.vector_store %arg16[%swap3A_41], %swap3A_44 {strides = array<i32>} : memref<640xf32, #tpu.memory_space<vmem>>, vector<16xf32>,
    %swap3A_45 = arith.constant 160 : index
    %swap3A_46 = tpu.vector_load %arg16[%swap3A_45] {strides = array<i32>} : memref<640xf32, #tpu.memory_space<vmem>>, vector<16xf32>,
    %swap3A_47 = vector.shape_cast %swap3A_46 : vector<16xf32> to vector<16xf32>
    %swap3A_48 = vector.shape_cast %broadcast_in_dim3A_5 : vector<16xf32> to vector<16xf32>
    tpu.vector_store %arg16[%swap3A_45], %swap3A_48 {strides = array<i32>} : memref<640xf32, #tpu.memory_space<vmem>>, vector<16xf32>,
    %swap3A_49 = arith.constant 176 : index
    %swap3A_50 = tpu.vector_load %arg16[%swap3A_49] {strides = array<i32>} : memref<640xf32, #tpu.memory_space<vmem>>, vector<16xf32>,
    %swap3A_51 = vector.shape_cast %swap3A_50 : vector<16xf32> to vector<16xf32>
    %swap3A_52 = vector.shape_cast %broadcast_in_dim3A_5 : vector<16xf32> to vector<16xf32>
    tpu.vector_store %arg16[%swap3A_49], %swap3A_52 {strides = array<i32>} : memref<640xf32, #tpu.memory_space<vmem>>, vector<16xf32>,
    %swap3A_53 = arith.constant 192 : index
    %swap3A_54 = tpu.vector_load %arg16[%swap3A_53] {strides = array<i32>} : memref<640xf32, #tpu.memory_space<vmem>>, vector<16xf32>,
    %swap3A_55 = vector.shape_cast %swap3A_54 : vector<16xf32> to vector<16xf32>
    %swap3A_56 = vector.shape_cast %broadcast_in_dim3A_5 : vector<16xf32> to vector<16xf32>
    tpu.vector_store %arg16[%swap3A_53], %swap3A_56 {strides = array<i32>} : memref<640xf32, #tpu.memory_space<vmem>>, vector<16xf32>,
    %swap3A_57 = arith.constant 208 : index
    %swap3A_58 = tpu.vector_load %arg16[%swap3A_57] {strides = array<i32>} : memref<640xf32, #tpu.memory_space<vmem>>, vector<16xf32>,
    %swap3A_59 = vector.shape_cast %swap3A_58 : vector<16xf32> to vector<16xf32>
    %swap3A_60 = vector.shape_cast %broadcast_in_dim3A_5 : vector<16xf32> to vector<16xf32>
    tpu.vector_store %arg16[%swap3A_57], %swap3A_60 {strides = array<i32>} : memref<640xf32, #tpu.memory_space<vmem>>, vector<16xf32>,
    %swap3A_61 = arith.constant 224 : index
    %swap3A_62 = tpu.vector_load %arg16[%swap3A_61] {strides = array<i32>} : memref<640xf32, #tpu.memory_space<vmem>>, vector<16xf32>,
    %swap3A_63 = vector.shape_cast %swap3A_62 : vector<16xf32> to vector<16xf32>
    %swap3A_64 = vector.shape_cast %broadcast_in_dim3A_5 : vector<16xf32> to vector<16xf32>
    tpu.vector_store %arg16[%swap3A_61], %swap3A_64 {strides = array<i32>} : memref<640xf32, #tpu.memory_space<vmem>>, vector<16xf32>,
    %swap3A_65 = arith.constant 240 : index
    %swap3A_66 = tpu.vector_load %arg16[%swap3A_65] {strides = array<i32>} : memref<640xf32, #tpu.memory_space<vmem>>, vector<16xf32>,
    %swap3A_67 = vector.shape_cast %swap3A_66 : vector<16xf32> to vector<16xf32>
    %swap3A_68 = vector.shape_cast %broadcast_in_dim3A_5 : vector<16xf32> to vector<16xf32>
    tpu.vector_store %arg16[%swap3A_65], %swap3A_68 {strides = array<i32>} : memref<640xf32, #tpu.memory_space<vmem>>, vector<16xf32>,
    %swap3A_69 = arith.constant 256 : index
    %swap3A_70 = tpu.vector_load %arg16[%swap3A_69] {strides = array<i32>} : memref<640xf32, #tpu.memory_space<vmem>>, vector<16xf32>,
    %swap3A_71 = vector.shape_cast %swap3A_70 : vector<16xf32> to vector<16xf32>
    %swap3A_72 = vector.shape_cast %broadcast_in_dim3A_5 : vector<16xf32> to vector<16xf32>
    tpu.vector_store %arg16[%swap3A_69], %swap3A_72 {strides = array<i32>} : memref<640xf32, #tpu.memory_space<vmem>>, vector<16xf32>,
    %swap3A_73 = arith.constant 272 : index
    %swap3A_74 = tpu.vector_load %arg16[%swap3A_73] {strides = array<i32>} : memref<640xf32, #tpu.memory_space<vmem>>, vector<16xf32>,
    %swap3A_75 = vector.shape_cast %swap3A_74 : vector<16xf32> to vector<16xf32>
    %swap3A_76 = vector.shape_cast %broadcast_in_dim3A_5 : vector<16xf32> to vector<16xf32>
    tpu.vector_store %arg16[%swap3A_73], %swap3A_76 {strides = array<i32>} : memref<640xf32, #tpu.memory_space<vmem>>, vector<16xf32>,
    %swap3A_77 = arith.constant 288 : index
    %swap3A_78 = tpu.vector_load %arg16[%swap3A_77] {strides = array<i32>} : memref<640xf32, #tpu.memory_space<vmem>>, vector<16xf32>,
    %swap3A_79 = vector.shape_cast %swap3A_78 : vector<16xf32> to vector<16xf32>
    %swap3A_80 = vector.shape_cast %broadcast_in_dim3A_5 : vector<16xf32> to vector<16xf32>
    tpu.vector_store %arg16[%swap3A_77], %swap3A_80 {strides = array<i32>} : memref<640xf32, #tpu.memory_space<vmem>>, vector<16xf32>,
    %swap3A_81 = arith.constant 304 : index
    %swap3A_82 = tpu.vector_load %arg16[%swap3A_81] {strides = array<i32>} : memref<640xf32, #tpu.memory_space<vmem>>, vector<16xf32>,
    %swap3A_83 = vector.shape_cast %swap3A_82 : vector<16xf32> to vector<16xf32>
    %swap3A_84 = vector.shape_cast %broadcast_in_dim3A_5 : vector<16xf32> to vector<16xf32>
    tpu.vector_store %arg16[%swap3A_81], %swap3A_84 {strides = array<i32>} : memref<640xf32, #tpu.memory_space<vmem>>, vector<16xf32>,
    %swap3A_85 = arith.constant 320 : index
    %swap3A_86 = tpu.vector_load %arg16[%swap3A_85] {strides = array<i32>} : memref<640xf32, #tpu.memory_space<vmem>>, vector<16xf32>,
    %swap3A_87 = vector.shape_cast %swap3A_86 : vector<16xf32> to vector<16xf32>
    %swap3A_88 = vector.shape_cast %broadcast_in_dim3A_5 : vector<16xf32> to vector<16xf32>
    tpu.vector_store %arg16[%swap3A_85], %swap3A_88 {strides = array<i32>} : memref<640xf32, #tpu.memory_space<vmem>>, vector<16xf32>,
    %swap3A_89 = arith.constant 336 : index
    %swap3A_90 = tpu.vector_load %arg16[%swap3A_89] {strides = array<i32>} : memref<640xf32, #tpu.memory_space<vmem>>, vector<16xf32>,
    %swap3A_91 = vector.shape_cast %swap3A_90 : vector<16xf32> to vector<16xf32>
    %swap3A_92 = vector.shape_cast %broadcast_in_dim3A_5 : vector<16xf32> to vector<16xf32>
    tpu.vector_store %arg16[%swap3A_89], %swap3A_92 {strides = array<i32>} : memref<640xf32, #tpu.memory_space<vmem>>, vector<16xf32>,
    %swap3A_93 = arith.constant 352 : index
    %swap3A_94 = tpu.vector_load %arg16[%swap3A_93] {strides = array<i32>} : memref<640xf32, #tpu.memory_space<vmem>>, vector<16xf32>,
    %swap3A_95 = vector.shape_cast %swap3A_94 : vector<16xf32> to vector<16xf32>
    %swap3A_96 = vector.shape_cast %broadcast_in_dim3A_5 : vector<16xf32> to vector<16xf32>
    tpu.vector_store %arg16[%swap3A_93], %swap3A_96 {strides = array<i32>} : memref<640xf32, #tpu.memory_space<vmem>>, vector<16xf32>,
    %swap3A_97 = arith.constant 368 : index
    %swap3A_98 = tpu.vector_load %arg16[%swap3A_97] {strides = array<i32>} : memref<640xf32, #tpu.memory_space<vmem>>, vector<16xf32>,
    %swap3A_99 = vector.shape_cast %swap3A_98 : vector<16xf32> to vector<16xf32>
    %swap3A_100 = vector.shape_cast %broadcast_in_dim3A_5 : vector<16xf32> to vector<16xf32>
    tpu.vector_store %arg16[%swap3A_97], %swap3A_100 {strides = array<i32>} : memref<640xf32, #tpu.memory_space<vmem>>, vector<16xf32>,
    %swap3A_101 = arith.constant 384 : index
    %swap3A_102 = tpu.vector_load %arg16[%swap3A_101] {strides = array<i32>} : memref<640xf32, #tpu.memory_space<vmem>>, vector<16xf32>,
    %swap3A_103 = vector.shape_cast %swap3A_102 : vector<16xf32> to vector<16xf32>
    %swap3A_104 = vector.shape_cast %broadcast_in_dim3A_5 : vector<16xf32> to vector<16xf32>
    tpu.vector_store %arg16[%swap3A_101], %swap3A_104 {strides = array<i32>} : memref<640xf32, #tpu.memory_space<vmem>>, vector<16xf32>,
    %swap3A_105 = arith.constant 400 : index
    %swap3A_106 = tpu.vector_load %arg16[%swap3A_105] {strides = array<i32>} : memref<640xf32, #tpu.memory_space<vmem>>, vector<16xf32>,
    %swap3A_107 = vector.shape_cast %swap3A_106 : vector<16xf32> to vector<16xf32>
    %swap3A_108 = vector.shape_cast %broadcast_in_dim3A_5 : vector<16xf32> to vector<16xf32>
    tpu.vector_store %arg16[%swap3A_105], %swap3A_108 {strides = array<i32>} : memref<640xf32, #tpu.memory_space<vmem>>, vector<16xf32>,
    %swap3A_109 = arith.constant 416 : index
    %swap3A_110 = tpu.vector_load %arg16[%swap3A_109] {strides = array<i32>} : memref<640xf32, #tpu.memory_space<vmem>>, vector<16xf32>,
    %swap3A_111 = vector.shape_cast %swap3A_110 : vector<16xf32> to vector<16xf32>
    %swap3A_112 = vector.shape_cast %broadcast_in_dim3A_5 : vector<16xf32> to vector<16xf32>
    tpu.vector_store %arg16[%swap3A_109], %swap3A_112 {strides = array<i32>} : memref<640xf32, #tpu.memory_space<vmem>>, vector<16xf32>,
    %swap3A_113 = arith.constant 432 : index
    %swap3A_114 = tpu.vector_load %arg16[%swap3A_113] {strides = array<i32>} : memref<640xf32, #tpu.memory_space<vmem>>, vector<16xf32>,
    %swap3A_115 = vector.shape_cast %swap3A_114 : vector<16xf32> to vector<16xf32>
    %swap3A_116 = vector.shape_cast %broadcast_in_dim3A_5 : vector<16xf32> to vector<16xf32>
    tpu.vector_store %arg16[%swap3A_113], %swap3A_116 {strides = array<i32>} : memref<640xf32, #tpu.memory_space<vmem>>, vector<16xf32>,
    %swap3A_117 = arith.constant 448 : index
    %swap3A_118 = tpu.vector_load %arg16[%swap3A_117] {strides = array<i32>} : memref<640xf32, #tpu.memory_space<vmem>>, vector<16xf32>,
    %swap3A_119 = vector.shape_cast %swap3A_118 : vector<16xf32> to vector<16xf32>
    %swap3A_120 = vector.shape_cast %broadcast_in_dim3A_5 : vector<16xf32> to vector<16xf32>
    tpu.vector_store %arg16[%swap3A_117], %swap3A_120 {strides = array<i32>} : memref<640xf32, #tpu.memory_space<vmem>>, vector<16xf32>,
    %swap3A_121 = arith.constant 464 : index
    %swap3A_122 = tpu.vector_load %arg16[%swap3A_121] {strides = array<i32>} : memref<640xf32, #tpu.memory_space<vmem>>, vector<16xf32>,
    %swap3A_123 = vector.shape_cast %swap3A_122 : vector<16xf32> to vector<16xf32>
    %swap3A_124 = vector.shape_cast %broadcast_in_dim3A_5 : vector<16xf32> to vector<16xf32>
    tpu.vector_store %arg16[%swap3A_121], %swap3A_124 {strides = array<i32>} : memref<640xf32, #tpu.memory_space<vmem>>, vector<16xf32>,
    %swap3A_125 = arith.constant 480 : index
    %swap3A_126 = tpu.vector_load %arg16[%swap3A_125] {strides = array<i32>} : memref<640xf32, #tpu.memory_space<vmem>>, vector<16xf32>,
    %swap3A_127 = vector.shape_cast %swap3A_126 : vector<16xf32> to vector<16xf32>
    %swap3A_128 = vector.shape_cast %broadcast_in_dim3A_5 : vector<16xf32> to vector<16xf32>
    tpu.vector_store %arg16[%swap3A_125], %swap3A_128 {strides = array<i32>} : memref<640xf32, #tpu.memory_space<vmem>>, vector<16xf32>,
    %swap3A_129 = arith.constant 496 : index
    %swap3A_130 = tpu.vector_load %arg16[%swap3A_129] {strides = array<i32>} : memref<640xf32, #tpu.memory_space<vmem>>, vector<16xf32>,
    %swap3A_131 = vector.shape_cast %swap3A_130 : vector<16xf32> to vector<16xf32>
    %swap3A_132 = vector.shape_cast %broadcast_in_dim3A_5 : vector<16xf32> to vector<16xf32>
    tpu.vector_store %arg16[%swap3A_129], %swap3A_132 {strides = array<i32>} : memref<640xf32, #tpu.memory_space<vmem>>, vector<16xf32>,
    %swap3A_133 = arith.constant 512 : index
    %swap3A_134 = tpu.vector_load %arg16[%swap3A_133] {strides = array<i32>} : memref<640xf32, #tpu.memory_space<vmem>>, vector<16xf32>,
    %swap3A_135 = vector.shape_cast %swap3A_134 : vector<16xf32> to vector<16xf32>
    %swap3A_136 = vector.shape_cast %broadcast_in_dim3A_5 : vector<16xf32> to vector<16xf32>
    tpu.vector_store %arg16[%swap3A_133], %swap3A_136 {strides = array<i32>} : memref<640xf32, #tpu.memory_space<vmem>>, vector<16xf32>,
    %swap3A_137 = arith.constant 528 : index
    %swap3A_138 = tpu.vector_load %arg16[%swap3A_137] {strides = array<i32>} : memref<640xf32, #tpu.memory_space<vmem>>, vector<16xf32>,
    %swap3A_139 = vector.shape_cast %swap3A_138 : vector<16xf32> to vector<16xf32>
    %swap3A_140 = vector.shape_cast %broadcast_in_dim3A_5 : vector<16xf32> to vector<16xf32>
    tpu.vector_store %arg16[%swap3A_137], %swap3A_140 {strides = array<i32>} : memref<640xf32, #tpu.memory_space<vmem>>, vector<16xf32>,
    %swap3A_141 = arith.constant 544 : index
    %swap3A_142 = tpu.vector_load %arg16[%swap3A_141] {strides = array<i32>} : memref<640xf32, #tpu.memory_space<vmem>>, vector<16xf32>,
    %swap3A_143 = vector.shape_cast %swap3A_142 : vector<16xf32> to vector<16xf32>
    %swap3A_144 = vector.shape_cast %broadcast_in_dim3A_5 : vector<16xf32> to vector<16xf32>
    tpu.vector_store %arg16[%swap3A_141], %swap3A_144 {strides = array<i32>} : memref<640xf32, #tpu.memory_space<vmem>>, vector<16xf32>,
    %swap3A_145 = arith.constant 560 : index
    %swap3A_146 = tpu.vector_load %arg16[%swap3A_145] {strides = array<i32>} : memref<640xf32, #tpu.memory_space<vmem>>, vector<16xf32>,
    %swap3A_147 = vector.shape_cast %swap3A_146 : vector<16xf32> to vector<16xf32>
    %swap3A_148 = vector.shape_cast %broadcast_in_dim3A_5 : vector<16xf32> to vector<16xf32>
    tpu.vector_store %arg16[%swap3A_145], %swap3A_148 {strides = array<i32>} : memref<640xf32, #tpu.memory_space<vmem>>, vector<16xf32>,
    %swap3A_149 = arith.constant 576 : index
    %swap3A_150 = tpu.vector_load %arg16[%swap3A_149] {strides = array<i32>} : memref<640xf32, #tpu.memory_space<vmem>>, vector<16xf32>,
    %swap3A_151 = vector.shape_cast %swap3A_150 : vector<16xf32> to vector<16xf32>
    %swap3A_152 = vector.shape_cast %broadcast_in_dim3A_5 : vector<16xf32> to vector<16xf32>
    tpu.vector_store %arg16[%swap3A_149], %swap3A_152 {strides = array<i32>} : memref<640xf32, #tpu.memory_space<vmem>>, vector<16xf32>,
    %swap3A_153 = arith.constant 592 : index
    %swap3A_154 = tpu.vector_load %arg16[%swap3A_153] {strides = array<i32>} : memref<640xf32, #tpu.memory_space<vmem>>, vector<16xf32>,
    %swap3A_155 = vector.shape_cast %swap3A_154 : vector<16xf32> to vector<16xf32>
    %swap3A_156 = vector.shape_cast %broadcast_in_dim3A_5 : vector<16xf32> to vector<16xf32>
    tpu.vector_store %arg16[%swap3A_153], %swap3A_156 {strides = array<i32>} : memref<640xf32, #tpu.memory_space<vmem>>, vector<16xf32>,
    %swap3A_157 = arith.constant 608 : index
    %swap3A_158 = tpu.vector_load %arg16[%swap3A_157] {strides = array<i32>} : memref<640xf32, #tpu.memory_space<vmem>>, vector<16xf32>,
    %swap3A_159 = vector.shape_cast %swap3A_158 : vector<16xf32> to vector<16xf32>
    %swap3A_160 = vector.shape_cast %broadcast_in_dim3A_5 : vector<16xf32> to vector<16xf32>
    tpu.vector_store %arg16[%swap3A_157], %swap3A_160 {strides = array<i32>} : memref<640xf32, #tpu.memory_space<vmem>>, vector<16xf32>,
    %swap3A_161 = arith.constant 624 : index
    %swap3A_162 = tpu.vector_load %arg16[%swap3A_161] {strides = array<i32>} : memref<640xf32, #tpu.memory_space<vmem>>, vector<16xf32>,
    %swap3A_163 = vector.shape_cast %swap3A_162 : vector<16xf32> to vector<16xf32>
    %swap3A_164 = vector.shape_cast %broadcast_in_dim3A_5 : vector<16xf32> to vector<16xf32>
    tpu.vector_store %arg16[%swap3A_161], %swap3A_164 {strides = array<i32>} : memref<640xf32, #tpu.memory_space<vmem>>, vector<16xf32>,
    %broadcast_in_dim3A_165 = arith.constant 1.000000e+00 : f32
    %broadcast_in_dim3A_166 = vector.broadcast %broadcast_in_dim3A_165 : f32 to vector<16xf32>
    %swap3A_167 = arith.constant 0 : index
    %swap3A_168 = tpu.vector_load %arg15[%swap3A_167] {strides = array<i32>} : memref<80xf32, #tpu.memory_space<vmem>>, vector<16xf32>,
    %swap3A_169 = vector.shape_cast %swap3A_168 : vector<16xf32> to vector<16xf32>
    %swap3A_170 = vector.shape_cast %broadcast_in_dim3A_166 : vector<16xf32> to vector<16xf32>
    tpu.vector_store %arg15[%swap3A_167], %swap3A_170 {strides = array<i32>} : memref<80xf32, #tpu.memory_space<vmem>>, vector<16xf32>,
    %swap3A_171 = arith.constant 16 : index
    %swap3A_172 = tpu.vector_load %arg15[%swap3A_171] {strides = array<i32>} : memref<80xf32, #tpu.memory_space<vmem>>, vector<16xf32>,
    %swap3A_173 = vector.shape_cast %swap3A_172 : vector<16xf32> to vector<16xf32>
    %swap3A_174 = vector.shape_cast %broadcast_in_dim3A_166 : vector<16xf32> to vector<16xf32>
    tpu.vector_store %arg15[%swap3A_171], %swap3A_174 {strides = array<i32>} : memref<80xf32, #tpu.memory_space<vmem>>, vector<16xf32>,
    %swap3A_175 = arith.constant 32 : index
    %swap3A_176 = tpu.vector_load %arg15[%swap3A_175] {strides = array<i32>} : memref<80xf32, #tpu.memory_space<vmem>>, vector<16xf32>,
    %swap3A_177 = vector.shape_cast %swap3A_176 : vector<16xf32> to vector<16xf32>
    %swap3A_178 = vector.shape_cast %broadcast_in_dim3A_166 : vector<16xf32> to vector<16xf32>
    tpu.vector_store %arg15[%swap3A_175], %swap3A_178 {strides = array<i32>} : memref<80xf32, #tpu.memory_space<vmem>>, vector<16xf32>,
    %swap3A_179 = arith.constant 48 : index
    %swap3A_180 = tpu.vector_load %arg15[%swap3A_179] {strides = array<i32>} : memref<80xf32, #tpu.memory_space<vmem>>, vector<16xf32>,
    %swap3A_181 = vector.shape_cast %swap3A_180 : vector<16xf32> to vector<16xf32>
    %swap3A_182 = vector.shape_cast %broadcast_in_dim3A_166 : vector<16xf32> to vector<16xf32>
    tpu.vector_store %arg15[%swap3A_179], %swap3A_182 {strides = array<i32>} : memref<80xf32, #tpu.memory_space<vmem>>, vector<16xf32>,
    %swap3A_183 = arith.constant 64 : index
    %swap3A_184 = tpu.vector_load %arg15[%swap3A_183] {strides = array<i32>} : memref<80xf32, #tpu.memory_space<vmem>>, vector<16xf32>,
    %swap3A_185 = vector.shape_cast %swap3A_184 : vector<16xf32> to vector<16xf32>
    %swap3A_186 = vector.shape_cast %broadcast_in_dim3A_166 : vector<16xf32> to vector<16xf32>
    tpu.vector_store %arg15[%swap3A_183], %swap3A_186 {strides = array<i32>} : memref<80xf32, #tpu.memory_space<vmem>>, vector<16xf32>,
    %mul3A_187 = arith.constant 640 : i32
    %mul3A_188 = arith.muli %arg1, %mul3A_187 : i32
    "tpu.region"() ({
      %run_scoped3A = tpu.sem_alloc : memref<!tpu.dma_semaphore, #tpu.memory_space<semaphore_mem>>
      %dma_start3A_208 = arith.constant 0 : i32
      %dma_start3A_209 = tpu.memref_slice %arg17[%mul3A_188, %dma_start3A_208] : memref<10240x128xf32, #tpu.memory_space<vmem_shared>> -> memref<640x128xf32, #tpu.memory_space<vmem_shared>>
      tpu.enqueue_dma source(%arg5 : memref<640x128xf32, #tpu.memory_space<hbm>>) target(%dma_start3A_209 : memref<640x128xf32, #tpu.memory_space<vmem_shared>>) target_semaphore(%run_scoped3A : memref<!tpu.dma_semaphore, #tpu.memory_space<semaphore_mem>>)
      %dma_wait3A = arith.constant 0 : i32
      %dma_wait3A_210 = tpu.memref_slice %arg17[%mul3A_188, %dma_wait3A] : memref<10240x128xf32, #tpu.memory_space<vmem_shared>> -> memref<640x128xf32, #tpu.memory_space<vmem_shared>>
      tpu.wait_dma2 semaphore(%run_scoped3A : memref<!tpu.dma_semaphore, #tpu.memory_space<semaphore_mem>>) src(%arg5 : memref<640x128xf32, #tpu.memory_space<hbm>>) dst(%dma_wait3A_210 : memref<640x128xf32, #tpu.memory_space<vmem_shared>>)
      tpu.yield
    }) : () -> ()
    %mul3A_189 = arith.constant 640 : i32
    %mul3A_190 = arith.muli %arg1, %mul3A_189 : i32
    "tpu.region"() ({
      %run_scoped3A = tpu.sem_alloc : memref<!tpu.dma_semaphore, #tpu.memory_space<semaphore_mem>>
      %dma_start3A_208 = tpu.memref_slice %arg18[%mul3A_190] : memref<10240xf32, #tpu.memory_space<vmem_shared>> -> memref<640xf32, #tpu.memory_space<vmem_shared>>
      %dma_start3A_209 = tpu.memref_slice %arg18[%mul3A_190] : memref<10240xf32, #tpu.memory_space<vmem_shared>> -> memref<640xf32, #tpu.memory_space<vmem_shared>>
      tpu.enqueue_dma source(%arg16 : memref<640xf32, #tpu.memory_space<vmem>>) target(%dma_start3A_209 : memref<640xf32, #tpu.memory_space<vmem_shared>>) target_semaphore(%run_scoped3A : memref<!tpu.dma_semaphore, #tpu.memory_space<semaphore_mem>>)
      %dma_wait3A = tpu.memref_slice %arg18[%mul3A_190] : memref<10240xf32, #tpu.memory_space<vmem_shared>> -> memref<640xf32, #tpu.memory_space<vmem_shared>>
      %dma_wait3A_210 = tpu.memref_slice %arg18[%mul3A_190] : memref<10240xf32, #tpu.memory_space<vmem_shared>> -> memref<640xf32, #tpu.memory_space<vmem_shared>>
      tpu.wait_dma2 semaphore(%run_scoped3A : memref<!tpu.dma_semaphore, #tpu.memory_space<semaphore_mem>>) src(%arg16 : memref<640xf32, #tpu.memory_space<vmem>>) dst(%dma_wait3A_210 : memref<640xf32, #tpu.memory_space<vmem_shared>>)
      tpu.yield
    }) : () -> ()
    %barrier3A = arith.constant 0 : index
    tpu.barrier barrier_id(%barrier3A)
    %dma_start3A = arith.constant 0 : i32
    %dma_start3A_191 = tpu.memref_slice %arg9[%dma_start3A] : memref<10000xi32, #tpu.memory_space<vmem>> -> memref<80xi32, #tpu.memory_space<vmem>>
    %dma_start3A_192 = arith.constant 0 : i32
    %dma_start3A_193 = arith.constant 0 : i32
    %dma_start3A_194 = tpu.memref_slice %arg2[%dma_start3A_192, %dma_start3A_193] : memref<20000x128xf32, #tpu.memory_space<hbm>> -> memref<20000x128xf32, #tpu.memory_space<hbm>>
    tpu.enqueue_indirect_dma source(%dma_start3A_194 : memref<20000x128xf32, #tpu.memory_space<hbm>>) target(%arg13 : memref<80x128xf32, #tpu.memory_space<vmem>>) offsets(%dma_start3A_191 : memref<80xi32, #tpu.memory_space<vmem>>) semaphore(%arg19 : memref<!tpu.dma_semaphore, #tpu.memory_space<semaphore_mem>>)
    %scan3A = arith.constant 0 : i32
    %scan3A_195 = arith.constant 0 : i32
    %scan3A_196 = arith.constant 125 : i32
    %scan3A_197 = arith.addi %scan3A_195, %scan3A_196 : i32
    %scan3A_198 = arith.constant 1 : i32
    scf.for %scan3A_208 = %scan3A_195 to %scan3A_197 step %scan3A_198  : i32 {
      %add3A_209 = arith.constant 1 : i32
      %add3A_210 = arith.addi %scan3A_208, %add3A_209 : i32
      %lt3A = arith.constant 125 : i32
      %lt3A_211 = arith.cmpi slt, %add3A_210, %lt3A : i32
      %rem3A = arith.constant 2 : i32
      %rem3A_212 = arith.remsi %add3A_210, %rem3A : i32
      %eq3A_213 = arith.constant 1 : i32
      %eq3A_214 = arith.cmpi eq, %rem3A_212, %eq3A_213 : i32
      %and3A = arith.andi %lt3A_211, %eq3A_214 : i1
      %convert_element_type3A_215 = arith.extui %and3A : i1 to i32
      %cond3A_216 = arith.constant 0 : i32
      %cond3A_217 = arith.cmpi ne, %convert_element_type3A_215, %cond3A_216 : i32
      scf.if %cond3A_217 {
        %ge3A = arith.constant 2 : i32
        %ge3A_242 = arith.cmpi sge, %add3A_210, %ge3A : i32
        %convert_element_type3A_243 = arith.extui %ge3A_242 : i1 to i32
        %cond3A_244 = arith.constant 0 : i32
        %cond3A_245 = arith.cmpi ne, %convert_element_type3A_243, %cond3A_244 : i32
        scf.if %cond3A_245 {
          %dma_wait3A = arith.constant 0 : i32
          %dma_wait3A_252 = arith.constant 0 : i32
          %dma_wait3A_253 = tpu.memref_slice %arg17[%dma_wait3A, %dma_wait3A_252] : memref<10240x128xf32, #tpu.memory_space<vmem_shared>> -> memref<10240x128xf32, #tpu.memory_space<vmem_shared>>
          tpu.wait_indirect_dma semaphore(%arg22 : memref<!tpu.dma_semaphore, #tpu.memory_space<semaphore_mem>>) src(%arg14 : memref<80x128xf32, #tpu.memory_space<vmem>>) dst(%dma_wait3A_253 : memref<10240x128xf32, #tpu.memory_space<vmem_shared>>)
        } else {
        }
        %mul3A_246 = arith.constant 80 : i32
        %mul3A_247 = arith.muli %add3A_210, %mul3A_246 : i32
        %dma_start3A_248 = tpu.memref_slice %arg9[%mul3A_247] : memref<10000xi32, #tpu.memory_space<vmem>> -> memref<80xi32, #tpu.memory_space<vmem>>
        %dma_start3A_249 = arith.constant 0 : i32
        %dma_start3A_250 = arith.constant 0 : i32
        %dma_start3A_251 = tpu.memref_slice %arg2[%dma_start3A_249, %dma_start3A_250] : memref<20000x128xf32, #tpu.memory_space<hbm>> -> memref<20000x128xf32, #tpu.memory_space<hbm>>
        tpu.enqueue_indirect_dma source(%dma_start3A_251 : memref<20000x128xf32, #tpu.memory_space<hbm>>) target(%arg14 : memref<80x128xf32, #tpu.memory_space<vmem>>) offsets(%dma_start3A_248 : memref<80xi32, #tpu.memory_space<vmem>>) semaphore(%arg20 : memref<!tpu.dma_semaphore, #tpu.memory_space<semaphore_mem>>)
      } else {
      }
      %lt3A_218 = arith.constant 125 : i32
      %lt3A_219 = arith.cmpi slt, %add3A_210, %lt3A_218 : i32
      %rem3A_220 = arith.constant 2 : i32
      %rem3A_221 = arith.remsi %add3A_210, %rem3A_220 : i32
      %eq3A_222 = arith.constant 0 : i32
      %eq3A_223 = arith.cmpi eq, %rem3A_221, %eq3A_222 : i32
      %and3A_224 = arith.andi %lt3A_219, %eq3A_223 : i1
      %convert_element_type3A_225 = arith.extui %and3A_224 : i1 to i32
      %cond3A_226 = arith.constant 0 : i32
      %cond3A_227 = arith.cmpi ne, %convert_element_type3A_225, %cond3A_226 : i32
      scf.if %cond3A_227 {
        %ge3A = arith.constant 2 : i32
        %ge3A_242 = arith.cmpi sge, %add3A_210, %ge3A : i32
        %convert_element_type3A_243 = arith.extui %ge3A_242 : i1 to i32
        %cond3A_244 = arith.constant 0 : i32
        %cond3A_245 = arith.cmpi ne, %convert_element_type3A_243, %cond3A_244 : i32
        scf.if %cond3A_245 {
          %dma_wait3A = arith.constant 0 : i32
          %dma_wait3A_252 = arith.constant 0 : i32
          %dma_wait3A_253 = tpu.memref_slice %arg17[%dma_wait3A, %dma_wait3A_252] : memref<10240x128xf32, #tpu.memory_space<vmem_shared>> -> memref<10240x128xf32, #tpu.memory_space<vmem_shared>>
          tpu.wait_indirect_dma semaphore(%arg21 : memref<!tpu.dma_semaphore, #tpu.memory_space<semaphore_mem>>) src(%arg13 : memref<80x128xf32, #tpu.memory_space<vmem>>) dst(%dma_wait3A_253 : memref<10240x128xf32, #tpu.memory_space<vmem_shared>>)
        } else {
        }
        %mul3A_246 = arith.constant 80 : i32
        %mul3A_247 = arith.muli %add3A_210, %mul3A_246 : i32
        %dma_start3A_248 = tpu.memref_slice %arg9[%mul3A_247] : memref<10000xi32, #tpu.memory_space<vmem>> -> memref<80xi32, #tpu.memory_space<vmem>>
        %dma_start3A_249 = arith.constant 0 : i32
        %dma_start3A_250 = arith.constant 0 : i32
        %dma_start3A_251 = tpu.memref_slice %arg2[%dma_start3A_249, %dma_start3A_250] : memref<20000x128xf32, #tpu.memory_space<hbm>> -> memref<20000x128xf32, #tpu.memory_space<hbm>>
        tpu.enqueue_indirect_dma source(%dma_start3A_251 : memref<20000x128xf32, #tpu.memory_space<hbm>>) target(%arg13 : memref<80x128xf32, #tpu.memory_space<vmem>>) offsets(%dma_start3A_248 : memref<80xi32, #tpu.memory_space<vmem>>) semaphore(%arg19 : memref<!tpu.dma_semaphore, #tpu.memory_space<semaphore_mem>>)
      } else {
      }
      %rem3A_228 = arith.constant 2 : i32
      %rem3A_229 = arith.remsi %scan3A_208, %rem3A_228 : i32
      %eq3A_230 = arith.constant 0 : i32
      %eq3A_231 = arith.cmpi eq, %rem3A_229, %eq3A_230 : i32
      %convert_element_type3A_232 = arith.extui %eq3A_231 : i1 to i32
      %cond3A_233 = arith.constant 0 : i32
      %cond3A_234 = arith.cmpi ne, %convert_element_type3A_232, %cond3A_233 : i32
      scf.if %cond3A_234 {
        %mul3A_242 = arith.constant 80 : i32
        %mul3A_243 = arith.muli %scan3A_208, %mul3A_242 : i32
        %dma_wait3A = tpu.memref_slice %arg9[%mul3A_243] : memref<10000xi32, #tpu.memory_space<vmem>> -> memref<80xi32, #tpu.memory_space<vmem>>
        %dma_wait3A_244 = arith.constant 0 : i32
        %dma_wait3A_245 = arith.constant 0 : i32
        %dma_wait3A_246 = tpu.memref_slice %arg2[%dma_wait3A_244, %dma_wait3A_245] : memref<20000x128xf32, #tpu.memory_space<hbm>> -> memref<20000x128xf32, #tpu.memory_space<hbm>>
        tpu.wait_indirect_dma semaphore(%arg19 : memref<!tpu.dma_semaphore, #tpu.memory_space<semaphore_mem>>) src(%dma_wait3A_246 : memref<20000x128xf32, #tpu.memory_space<hbm>>) dst(%arg13 : memref<80x128xf32, #tpu.memory_space<vmem>>)
        %mul3A_247 = arith.constant 80 : i32
        %mul3A_248 = arith.muli %scan3A_208, %mul3A_247 : i32
        %add3A_249 = arith.constant 0 : i32
        %add3A_250 = arith.addi %mul3A_248, %add3A_249 : i32
        %get3A = arith.index_cast %add3A_250 : i32 to index
        %get3A_251 = tpu.vector_load %arg10[%get3A] {strides = array<i32>} : memref<10000xi32, #tpu.memory_space<vmem>>, vector<16xi32>,
        %get3A_252 = vector.shape_cast %get3A_251 : vector<16xi32> to vector<16xi32>
        %swap3A_253 = arith.constant 0 : index
        %swap3A_254 = tpu.vector_load %arg11[%swap3A_253] {strides = array<i32>} : memref<80xi32, #tpu.memory_space<vmem>>, vector<16xi32>,
        %swap3A_255 = vector.shape_cast %swap3A_254 : vector<16xi32> to vector<16xi32>
        %swap3A_256 = vector.shape_cast %get3A_252 : vector<16xi32> to vector<16xi32>
        tpu.vector_store %arg11[%swap3A_253], %swap3A_256 {strides = array<i32>} : memref<80xi32, #tpu.memory_space<vmem>>, vector<16xi32>,
        %mul3A_257 = arith.constant 80 : i32
        %mul3A_258 = arith.muli %scan3A_208, %mul3A_257 : i32
        %add3A_259 = arith.constant 16 : i32
        %add3A_260 = arith.addi %mul3A_258, %add3A_259 : i32
        %get3A_261 = arith.index_cast %add3A_260 : i32 to index
        %get3A_262 = tpu.vector_load %arg10[%get3A_261] {strides = array<i32>} : memref<10000xi32, #tpu.memory_space<vmem>>, vector<16xi32>,
        %get3A_263 = vector.shape_cast %get3A_262 : vector<16xi32> to vector<16xi32>
        %swap3A_264 = arith.constant 16 : index
        %swap3A_265 = tpu.vector_load %arg11[%swap3A_264] {strides = array<i32>} : memref<80xi32, #tpu.memory_space<vmem>>, vector<16xi32>,
        %swap3A_266 = vector.shape_cast %swap3A_265 : vector<16xi32> to vector<16xi32>
        %swap3A_267 = vector.shape_cast %get3A_263 : vector<16xi32> to vector<16xi32>
        tpu.vector_store %arg11[%swap3A_264], %swap3A_267 {strides = array<i32>} : memref<80xi32, #tpu.memory_space<vmem>>, vector<16xi32>,
        %mul3A_268 = arith.constant 80 : i32
        %mul3A_269 = arith.muli %scan3A_208, %mul3A_268 : i32
        %add3A_270 = arith.constant 32 : i32
        %add3A_271 = arith.addi %mul3A_269, %add3A_270 : i32
        %get3A_272 = arith.index_cast %add3A_271 : i32 to index
        %get3A_273 = tpu.vector_load %arg10[%get3A_272] {strides = array<i32>} : memref<10000xi32, #tpu.memory_space<vmem>>, vector<16xi32>,
        %get3A_274 = vector.shape_cast %get3A_273 : vector<16xi32> to vector<16xi32>
        %swap3A_275 = arith.constant 32 : index
        %swap3A_276 = tpu.vector_load %arg11[%swap3A_275] {strides = array<i32>} : memref<80xi32, #tpu.memory_space<vmem>>, vector<16xi32>,
        %swap3A_277 = vector.shape_cast %swap3A_276 : vector<16xi32> to vector<16xi32>
        %swap3A_278 = vector.shape_cast %get3A_274 : vector<16xi32> to vector<16xi32>
        tpu.vector_store %arg11[%swap3A_275], %swap3A_278 {strides = array<i32>} : memref<80xi32, #tpu.memory_space<vmem>>, vector<16xi32>,
        %mul3A_279 = arith.constant 80 : i32
        %mul3A_280 = arith.muli %scan3A_208, %mul3A_279 : i32
        %add3A_281 = arith.constant 48 : i32
        %add3A_282 = arith.addi %mul3A_280, %add3A_281 : i32
        %get3A_283 = arith.index_cast %add3A_282 : i32 to index
        %get3A_284 = tpu.vector_load %arg10[%get3A_283] {strides = array<i32>} : memref<10000xi32, #tpu.memory_space<vmem>>, vector<16xi32>,
        %get3A_285 = vector.shape_cast %get3A_284 : vector<16xi32> to vector<16xi32>
        %swap3A_286 = arith.constant 48 : index
        %swap3A_287 = tpu.vector_load %arg11[%swap3A_286] {strides = array<i32>} : memref<80xi32, #tpu.memory_space<vmem>>, vector<16xi32>,
        %swap3A_288 = vector.shape_cast %swap3A_287 : vector<16xi32> to vector<16xi32>
        %swap3A_289 = vector.shape_cast %get3A_285 : vector<16xi32> to vector<16xi32>
        tpu.vector_store %arg11[%swap3A_286], %swap3A_289 {strides = array<i32>} : memref<80xi32, #tpu.memory_space<vmem>>, vector<16xi32>,
        %mul3A_290 = arith.constant 80 : i32
        %mul3A_291 = arith.muli %scan3A_208, %mul3A_290 : i32
        %add3A_292 = arith.constant 64 : i32
        %add3A_293 = arith.addi %mul3A_291, %add3A_292 : i32
        %get3A_294 = arith.index_cast %add3A_293 : i32 to index
        %get3A_295 = tpu.vector_load %arg10[%get3A_294] {strides = array<i32>} : memref<10000xi32, #tpu.memory_space<vmem>>, vector<16xi32>,
        %get3A_296 = vector.shape_cast %get3A_295 : vector<16xi32> to vector<16xi32>
        %swap3A_297 = arith.constant 64 : index
        %swap3A_298 = tpu.vector_load %arg11[%swap3A_297] {strides = array<i32>} : memref<80xi32, #tpu.memory_space<vmem>>, vector<16xi32>,
        %swap3A_299 = vector.shape_cast %swap3A_298 : vector<16xi32> to vector<16xi32>
        %swap3A_300 = vector.shape_cast %get3A_296 : vector<16xi32> to vector<16xi32>
        tpu.vector_store %arg11[%swap3A_297], %swap3A_300 {strides = array<i32>} : memref<80xi32, #tpu.memory_space<vmem>>, vector<16xi32>,
        %lt3A_301 = arith.constant 123 : i32
        %lt3A_302 = arith.cmpi slt, %scan3A_208, %lt3A_301 : i32
        %convert_element_type3A_303 = arith.extui %lt3A_302 : i1 to i32
        %cond3A_304 = arith.constant 0 : i32
        %cond3A_305 = arith.cmpi ne, %convert_element_type3A_303, %cond3A_304 : i32
        scf.if %cond3A_305 {
          %dma_start3A_315 = arith.constant 0 : i32
          %dma_start3A_316 = arith.constant 0 : i32
          %dma_start3A_317 = tpu.memref_slice %arg17[%dma_start3A_315, %dma_start3A_316] : memref<10240x128xf32, #tpu.memory_space<vmem_shared>> -> memref<10240x128xf32, #tpu.memory_space<vmem_shared>>
          tpu.enqueue_indirect_dma source(%arg13 : memref<80x128xf32, #tpu.memory_space<vmem>>) target(%dma_start3A_317 : memref<10240x128xf32, #tpu.memory_space<vmem_shared>>) offsets(%arg11 : memref<80xi32, #tpu.memory_space<vmem>>) semaphore(%arg21 : memref<!tpu.dma_semaphore, #tpu.memory_space<semaphore_mem>>) {add = true}
        } else {
        }
        %ge3A = arith.constant 123 : i32
        %ge3A_306 = arith.cmpi sge, %scan3A_208, %ge3A : i32
        %convert_element_type3A_307 = arith.extui %ge3A_306 : i1 to i32
        %cond3A_308 = arith.constant 0 : i32
        %cond3A_309 = arith.cmpi ne, %convert_element_type3A_307, %cond3A_308 : i32
        scf.if %cond3A_309 {
          "tpu.region"() ({
            %run_scoped3A = tpu.sem_alloc : memref<!tpu.dma_semaphore, #tpu.memory_space<semaphore_mem>>
            %dma_start3A_315 = arith.constant 0 : i32
            %dma_start3A_316 = arith.constant 0 : i32
            %dma_start3A_317 = tpu.memref_slice %arg17[%dma_start3A_315, %dma_start3A_316] : memref<10240x128xf32, #tpu.memory_space<vmem_shared>> -> memref<10240x128xf32, #tpu.memory_space<vmem_shared>>
            tpu.enqueue_indirect_dma source(%arg13 : memref<80x128xf32, #tpu.memory_space<vmem>>) target(%dma_start3A_317 : memref<10240x128xf32, #tpu.memory_space<vmem_shared>>) offsets(%arg11 : memref<80xi32, #tpu.memory_space<vmem>>) semaphore(%run_scoped3A : memref<!tpu.dma_semaphore, #tpu.memory_space<semaphore_mem>>) {add = true}
            %dma_wait3A_318 = arith.constant 0 : i32
            %dma_wait3A_319 = arith.constant 0 : i32
            %dma_wait3A_320 = tpu.memref_slice %arg17[%dma_wait3A_318, %dma_wait3A_319] : memref<10240x128xf32, #tpu.memory_space<vmem_shared>> -> memref<10240x128xf32, #tpu.memory_space<vmem_shared>>
            tpu.wait_indirect_dma semaphore(%run_scoped3A : memref<!tpu.dma_semaphore, #tpu.memory_space<semaphore_mem>>) src(%arg13 : memref<80x128xf32, #tpu.memory_space<vmem>>) dst(%dma_wait3A_320 : memref<10240x128xf32, #tpu.memory_space<vmem_shared>>)
            tpu.yield
          }) : () -> ()
        } else {
        }
        %eq3A_310 = arith.constant 0 : i32
        %eq3A_311 = arith.cmpi eq, %arg0, %eq3A_310 : i32
        %convert_element_type3A_312 = arith.extui %eq3A_311 : i1 to i32
        %cond3A_313 = arith.constant 0 : i32
        %cond3A_314 = arith.cmpi ne, %convert_element_type3A_312, %cond3A_313 : i32
        scf.if %cond3A_314 {
          "tpu.region"() ({
            %run_scoped3A = tpu.sem_alloc : memref<!tpu.dma_semaphore, #tpu.memory_space<semaphore_mem>>
            %dma_start3A_315 = arith.constant 0 : i32
            %dma_start3A_316 = tpu.memref_slice %arg18[%dma_start3A_315] : memref<10240xf32, #tpu.memory_space<vmem_shared>> -> memref<10240xf32, #tpu.memory_space<vmem_shared>>
            tpu.enqueue_indirect_dma source(%arg15 : memref<80xf32, #tpu.memory_space<vmem>>) target(%dma_start3A_316 : memref<10240xf32, #tpu.memory_space<vmem_shared>>) offsets(%arg11 : memref<80xi32, #tpu.memory_space<vmem>>) semaphore(%run_scoped3A : memref<!tpu.dma_semaphore, #tpu.memory_space<semaphore_mem>>) {add = true}
            %dma_wait3A_317 = arith.constant 0 : i32
            %dma_wait3A_318 = tpu.memref_slice %arg18[%dma_wait3A_317] : memref<10240xf32, #tpu.memory_space<vmem_shared>> -> memref<10240xf32, #tpu.memory_space<vmem_shared>>
            tpu.wait_indirect_dma semaphore(%run_scoped3A : memref<!tpu.dma_semaphore, #tpu.memory_space<semaphore_mem>>) src(%arg15 : memref<80xf32, #tpu.memory_space<vmem>>) dst(%dma_wait3A_318 : memref<10240xf32, #tpu.memory_space<vmem_shared>>)
            tpu.yield
          }) : () -> ()
        } else {
        }
      } else {
      }
      %rem3A_235 = arith.constant 2 : i32
      %rem3A_236 = arith.remsi %scan3A_208, %rem3A_235 : i32
      %eq3A_237 = arith.constant 1 : i32
      %eq3A_238 = arith.cmpi eq, %rem3A_236, %eq3A_237 : i32
      %convert_element_type3A_239 = arith.extui %eq3A_238 : i1 to i32
      %cond3A_240 = arith.constant 0 : i32
      %cond3A_241 = arith.cmpi ne, %convert_element_type3A_239, %cond3A_240 : i32
      scf.if %cond3A_241 {
        %mul3A_242 = arith.constant 80 : i32
        %mul3A_243 = arith.muli %scan3A_208, %mul3A_242 : i32
        %dma_wait3A = tpu.memref_slice %arg9[%mul3A_243] : memref<10000xi32, #tpu.memory_space<vmem>> -> memref<80xi32, #tpu.memory_space<vmem>>
        %dma_wait3A_244 = arith.constant 0 : i32
        %dma_wait3A_245 = arith.constant 0 : i32
        %dma_wait3A_246 = tpu.memref_slice %arg2[%dma_wait3A_244, %dma_wait3A_245] : memref<20000x128xf32, #tpu.memory_space<hbm>> -> memref<20000x128xf32, #tpu.memory_space<hbm>>
        tpu.wait_indirect_dma semaphore(%arg20 : memref<!tpu.dma_semaphore, #tpu.memory_space<semaphore_mem>>) src(%dma_wait3A_246 : memref<20000x128xf32, #tpu.memory_space<hbm>>) dst(%arg14 : memref<80x128xf32, #tpu.memory_space<vmem>>)
        %mul3A_247 = arith.constant 80 : i32
        %mul3A_248 = arith.muli %scan3A_208, %mul3A_247 : i32
        %add3A_249 = arith.constant 0 : i32
        %add3A_250 = arith.addi %mul3A_248, %add3A_249 : i32
        %get3A = arith.index_cast %add3A_250 : i32 to index
        %get3A_251 = tpu.vector_load %arg10[%get3A] {strides = array<i32>} : memref<10000xi32, #tpu.memory_space<vmem>>, vector<16xi32>,
        %get3A_252 = vector.shape_cast %get3A_251 : vector<16xi32> to vector<16xi32>
        %swap3A_253 = arith.constant 0 : index
        %swap3A_254 = tpu.vector_load %arg12[%swap3A_253] {strides = array<i32>} : memref<80xi32, #tpu.memory_space<vmem>>, vector<16xi32>,
        %swap3A_255 = vector.shape_cast %swap3A_254 : vector<16xi32> to vector<16xi32>
        %swap3A_256 = vector.shape_cast %get3A_252 : vector<16xi32> to vector<16xi32>
        tpu.vector_store %arg12[%swap3A_253], %swap3A_256 {strides = array<i32>} : memref<80xi32, #tpu.memory_space<vmem>>, vector<16xi32>,
        %mul3A_257 = arith.constant 80 : i32
        %mul3A_258 = arith.muli %scan3A_208, %mul3A_257 : i32
        %add3A_259 = arith.constant 16 : i32
        %add3A_260 = arith.addi %mul3A_258, %add3A_259 : i32
        %get3A_261 = arith.index_cast %add3A_260 : i32 to index
        %get3A_262 = tpu.vector_load %arg10[%get3A_261] {strides = array<i32>} : memref<10000xi32, #tpu.memory_space<vmem>>, vector<16xi32>,
        %get3A_263 = vector.shape_cast %get3A_262 : vector<16xi32> to vector<16xi32>
        %swap3A_264 = arith.constant 16 : index
        %swap3A_265 = tpu.vector_load %arg12[%swap3A_264] {strides = array<i32>} : memref<80xi32, #tpu.memory_space<vmem>>, vector<16xi32>,
        %swap3A_266 = vector.shape_cast %swap3A_265 : vector<16xi32> to vector<16xi32>
        %swap3A_267 = vector.shape_cast %get3A_263 : vector<16xi32> to vector<16xi32>
        tpu.vector_store %arg12[%swap3A_264], %swap3A_267 {strides = array<i32>} : memref<80xi32, #tpu.memory_space<vmem>>, vector<16xi32>,
        %mul3A_268 = arith.constant 80 : i32
        %mul3A_269 = arith.muli %scan3A_208, %mul3A_268 : i32
        %add3A_270 = arith.constant 32 : i32
        %add3A_271 = arith.addi %mul3A_269, %add3A_270 : i32
        %get3A_272 = arith.index_cast %add3A_271 : i32 to index
        %get3A_273 = tpu.vector_load %arg10[%get3A_272] {strides = array<i32>} : memref<10000xi32, #tpu.memory_space<vmem>>, vector<16xi32>,
        %get3A_274 = vector.shape_cast %get3A_273 : vector<16xi32> to vector<16xi32>
        %swap3A_275 = arith.constant 32 : index
        %swap3A_276 = tpu.vector_load %arg12[%swap3A_275] {strides = array<i32>} : memref<80xi32, #tpu.memory_space<vmem>>, vector<16xi32>,
        %swap3A_277 = vector.shape_cast %swap3A_276 : vector<16xi32> to vector<16xi32>
        %swap3A_278 = vector.shape_cast %get3A_274 : vector<16xi32> to vector<16xi32>
        tpu.vector_store %arg12[%swap3A_275], %swap3A_278 {strides = array<i32>} : memref<80xi32, #tpu.memory_space<vmem>>, vector<16xi32>,
        %mul3A_279 = arith.constant 80 : i32
        %mul3A_280 = arith.muli %scan3A_208, %mul3A_279 : i32
        %add3A_281 = arith.constant 48 : i32
        %add3A_282 = arith.addi %mul3A_280, %add3A_281 : i32
        %get3A_283 = arith.index_cast %add3A_282 : i32 to index
        %get3A_284 = tpu.vector_load %arg10[%get3A_283] {strides = array<i32>} : memref<10000xi32, #tpu.memory_space<vmem>>, vector<16xi32>,
        %get3A_285 = vector.shape_cast %get3A_284 : vector<16xi32> to vector<16xi32>
        %swap3A_286 = arith.constant 48 : index
        %swap3A_287 = tpu.vector_load %arg12[%swap3A_286] {strides = array<i32>} : memref<80xi32, #tpu.memory_space<vmem>>, vector<16xi32>,
        %swap3A_288 = vector.shape_cast %swap3A_287 : vector<16xi32> to vector<16xi32>
        %swap3A_289 = vector.shape_cast %get3A_285 : vector<16xi32> to vector<16xi32>
        tpu.vector_store %arg12[%swap3A_286], %swap3A_289 {strides = array<i32>} : memref<80xi32, #tpu.memory_space<vmem>>, vector<16xi32>,
        %mul3A_290 = arith.constant 80 : i32
        %mul3A_291 = arith.muli %scan3A_208, %mul3A_290 : i32
        %add3A_292 = arith.constant 64 : i32
        %add3A_293 = arith.addi %mul3A_291, %add3A_292 : i32
        %get3A_294 = arith.index_cast %add3A_293 : i32 to index
        %get3A_295 = tpu.vector_load %arg10[%get3A_294] {strides = array<i32>} : memref<10000xi32, #tpu.memory_space<vmem>>, vector<16xi32>,
        %get3A_296 = vector.shape_cast %get3A_295 : vector<16xi32> to vector<16xi32>
        %swap3A_297 = arith.constant 64 : index
        %swap3A_298 = tpu.vector_load %arg12[%swap3A_297] {strides = array<i32>} : memref<80xi32, #tpu.memory_space<vmem>>, vector<16xi32>,
        %swap3A_299 = vector.shape_cast %swap3A_298 : vector<16xi32> to vector<16xi32>
        %swap3A_300 = vector.shape_cast %get3A_296 : vector<16xi32> to vector<16xi32>
        tpu.vector_store %arg12[%swap3A_297], %swap3A_300 {strides = array<i32>} : memref<80xi32, #tpu.memory_space<vmem>>, vector<16xi32>,
        %lt3A_301 = arith.constant 123 : i32
        %lt3A_302 = arith.cmpi slt, %scan3A_208, %lt3A_301 : i32
        %convert_element_type3A_303 = arith.extui %lt3A_302 : i1 to i32
        %cond3A_304 = arith.constant 0 : i32
        %cond3A_305 = arith.cmpi ne, %convert_element_type3A_303, %cond3A_304 : i32
        scf.if %cond3A_305 {
          %dma_start3A_315 = arith.constant 0 : i32
          %dma_start3A_316 = arith.constant 0 : i32
          %dma_start3A_317 = tpu.memref_slice %arg17[%dma_start3A_315, %dma_start3A_316] : memref<10240x128xf32, #tpu.memory_space<vmem_shared>> -> memref<10240x128xf32, #tpu.memory_space<vmem_shared>>
          tpu.enqueue_indirect_dma source(%arg14 : memref<80x128xf32, #tpu.memory_space<vmem>>) target(%dma_start3A_317 : memref<10240x128xf32, #tpu.memory_space<vmem_shared>>) offsets(%arg12 : memref<80xi32, #tpu.memory_space<vmem>>) semaphore(%arg22 : memref<!tpu.dma_semaphore, #tpu.memory_space<semaphore_mem>>) {add = true}
        } else {
        }
        %ge3A = arith.constant 123 : i32
        %ge3A_306 = arith.cmpi sge, %scan3A_208, %ge3A : i32
        %convert_element_type3A_307 = arith.extui %ge3A_306 : i1 to i32
        %cond3A_308 = arith.constant 0 : i32
        %cond3A_309 = arith.cmpi ne, %convert_element_type3A_307, %cond3A_308 : i32
        scf.if %cond3A_309 {
          "tpu.region"() ({
            %run_scoped3A = tpu.sem_alloc : memref<!tpu.dma_semaphore, #tpu.memory_space<semaphore_mem>>
            %dma_start3A_315 = arith.constant 0 : i32
            %dma_start3A_316 = arith.constant 0 : i32
            %dma_start3A_317 = tpu.memref_slice %arg17[%dma_start3A_315, %dma_start3A_316] : memref<10240x128xf32, #tpu.memory_space<vmem_shared>> -> memref<10240x128xf32, #tpu.memory_space<vmem_shared>>
            tpu.enqueue_indirect_dma source(%arg14 : memref<80x128xf32, #tpu.memory_space<vmem>>) target(%dma_start3A_317 : memref<10240x128xf32, #tpu.memory_space<vmem_shared>>) offsets(%arg12 : memref<80xi32, #tpu.memory_space<vmem>>) semaphore(%run_scoped3A : memref<!tpu.dma_semaphore, #tpu.memory_space<semaphore_mem>>) {add = true}
            %dma_wait3A_318 = arith.constant 0 : i32
            %dma_wait3A_319 = arith.constant 0 : i32
            %dma_wait3A_320 = tpu.memref_slice %arg17[%dma_wait3A_318, %dma_wait3A_319] : memref<10240x128xf32, #tpu.memory_space<vmem_shared>> -> memref<10240x128xf32, #tpu.memory_space<vmem_shared>>
            tpu.wait_indirect_dma semaphore(%run_scoped3A : memref<!tpu.dma_semaphore, #tpu.memory_space<semaphore_mem>>) src(%arg14 : memref<80x128xf32, #tpu.memory_space<vmem>>) dst(%dma_wait3A_320 : memref<10240x128xf32, #tpu.memory_space<vmem_shared>>)
            tpu.yield
          }) : () -> ()
        } else {
        }
        %eq3A_310 = arith.constant 0 : i32
        %eq3A_311 = arith.cmpi eq, %arg0, %eq3A_310 : i32
        %convert_element_type3A_312 = arith.extui %eq3A_311 : i1 to i32
        %cond3A_313 = arith.constant 0 : i32
        %cond3A_314 = arith.cmpi ne, %convert_element_type3A_312, %cond3A_313 : i32
        scf.if %cond3A_314 {
          "tpu.region"() ({
            %run_scoped3A = tpu.sem_alloc : memref<!tpu.dma_semaphore, #tpu.memory_space<semaphore_mem>>
            %dma_start3A_315 = arith.constant 0 : i32
            %dma_start3A_316 = tpu.memref_slice %arg18[%dma_start3A_315] : memref<10240xf32, #tpu.memory_space<vmem_shared>> -> memref<10240xf32, #tpu.memory_space<vmem_shared>>
            tpu.enqueue_indirect_dma source(%arg15 : memref<80xf32, #tpu.memory_space<vmem>>) target(%dma_start3A_316 : memref<10240xf32, #tpu.memory_space<vmem_shared>>) offsets(%arg12 : memref<80xi32, #tpu.memory_space<vmem>>) semaphore(%run_scoped3A : memref<!tpu.dma_semaphore, #tpu.memory_space<semaphore_mem>>) {add = true}
            %dma_wait3A_317 = arith.constant 0 : i32
            %dma_wait3A_318 = tpu.memref_slice %arg18[%dma_wait3A_317] : memref<10240xf32, #tpu.memory_space<vmem_shared>> -> memref<10240xf32, #tpu.memory_space<vmem_shared>>
            tpu.wait_indirect_dma semaphore(%run_scoped3A : memref<!tpu.dma_semaphore, #tpu.memory_space<semaphore_mem>>) src(%arg15 : memref<80xf32, #tpu.memory_space<vmem>>) dst(%dma_wait3A_318 : memref<10240xf32, #tpu.memory_space<vmem_shared>>)
            tpu.yield
          }) : () -> ()
        } else {
        }
      } else {
      }
    }
    %scan3A_199 = arith.constant 125 : i32
    %barrier3A_200 = arith.constant 0 : index
    tpu.barrier barrier_id(%barrier3A_200)
    %eq3A = arith.constant 0 : i32
    %eq3A_201 = arith.cmpi eq, %arg0, %eq3A : i32
    %convert_element_type3A = arith.extui %eq3A_201 : i1 to i32
    %cond3A = arith.constant 0 : i32
    %cond3A_202 = arith.cmpi ne, %convert_element_type3A, %cond3A : i32
    scf.if %cond3A_202 {
      %mul3A_208 = arith.constant 640 : i32
      %mul3A_209 = arith.muli %arg1, %mul3A_208 : i32
      %mul3A_210 = arith.constant 640 : i32
      %mul3A_211 = arith.muli %arg1, %mul3A_210 : i32
      "tpu.region"() ({
        %run_scoped3A = tpu.sem_alloc : memref<!tpu.dma_semaphore, #tpu.memory_space<semaphore_mem>>
        %dma_start3A_216 = arith.constant 0 : i32
        %dma_start3A_217 = tpu.memref_slice %arg6[%mul3A_211, %dma_start3A_216] : memref<10240x128xf32, #tpu.memory_space<hbm>> -> memref<640x128xf32, #tpu.memory_space<hbm>>
        %dma_start3A_218 = arith.constant 0 : i32
        %dma_start3A_219 = tpu.memref_slice %arg17[%mul3A_209, %dma_start3A_218] : memref<10240x128xf32, #tpu.memory_space<vmem_shared>> -> memref<640x128xf32, #tpu.memory_space<vmem_shared>>
        tpu.enqueue_dma source(%dma_start3A_219 : memref<640x128xf32, #tpu.memory_space<vmem_shared>>) target(%dma_start3A_217 : memref<640x128xf32, #tpu.memory_space<hbm>>) target_semaphore(%run_scoped3A : memref<!tpu.dma_semaphore, #tpu.memory_space<semaphore_mem>>)
        %dma_wait3A = arith.constant 0 : i32
        %dma_wait3A_220 = tpu.memref_slice %arg6[%mul3A_211, %dma_wait3A] : memref<10240x128xf32, #tpu.memory_space<hbm>> -> memref<640x128xf32, #tpu.memory_space<hbm>>
        %dma_wait3A_221 = arith.constant 0 : i32
        %dma_wait3A_222 = tpu.memref_slice %arg17[%mul3A_209, %dma_wait3A_221] : memref<10240x128xf32, #tpu.memory_space<vmem_shared>> -> memref<640x128xf32, #tpu.memory_space<vmem_shared>>
        tpu.wait_dma2 semaphore(%run_scoped3A : memref<!tpu.dma_semaphore, #tpu.memory_space<semaphore_mem>>) src(%dma_wait3A_222 : memref<640x128xf32, #tpu.memory_space<vmem_shared>>) dst(%dma_wait3A_220 : memref<640x128xf32, #tpu.memory_space<hbm>>)
        tpu.yield
      }) : () -> ()
      %mul3A_212 = arith.constant 640 : i32
      %mul3A_213 = arith.muli %arg1, %mul3A_212 : i32
      %mul3A_214 = arith.constant 640 : i32
      %mul3A_215 = arith.muli %arg1, %mul3A_214 : i32
      "tpu.region"() ({
        %run_scoped3A = tpu.sem_alloc : memref<!tpu.dma_semaphore, #tpu.memory_space<semaphore_mem>>
        %dma_start3A_216 = tpu.memref_slice %arg8[%mul3A_215] : memref<10240xf32, #tpu.memory_space<hbm>> -> memref<640xf32, #tpu.memory_space<hbm>>
        %dma_start3A_217 = tpu.memref_slice %arg18[%mul3A_213] : memref<10240xf32, #tpu.memory_space<vmem_shared>> -> memref<640xf32, #tpu.memory_space<vmem_shared>>
        tpu.enqueue_dma source(%dma_start3A_217 : memref<640xf32, #tpu.memory_space<vmem_shared>>) target(%dma_start3A_216 : memref<640xf32, #tpu.memory_space<hbm>>) target_semaphore(%run_scoped3A : memref<!tpu.dma_semaphore, #tpu.memory_space<semaphore_mem>>)
        %dma_wait3A = tpu.memref_slice %arg8[%mul3A_215] : memref<10240xf32, #tpu.memory_space<hbm>> -> memref<640xf32, #tpu.memory_space<hbm>>
        %dma_wait3A_218 = tpu.memref_slice %arg18[%mul3A_213] : memref<10240xf32, #tpu.memory_space<vmem_shared>> -> memref<640xf32, #tpu.memory_space<vmem_shared>>
        tpu.wait_dma2 semaphore(%run_scoped3A : memref<!tpu.dma_semaphore, #tpu.memory_space<semaphore_mem>>) src(%dma_wait3A_218 : memref<640xf32, #tpu.memory_space<vmem_shared>>) dst(%dma_wait3A : memref<640xf32, #tpu.memory_space<hbm>>)
        tpu.yield
      }) : () -> ()
    } else {
    }
    %eq3A_203 = arith.constant 1 : i32
    %eq3A_204 = arith.cmpi eq, %arg0, %eq3A_203 : i32
    %convert_element_type3A_205 = arith.extui %eq3A_204 : i1 to i32
    %cond3A_206 = arith.constant 0 : i32
    %cond3A_207 = arith.cmpi ne, %convert_element_type3A_205, %cond3A_206 : i32
    scf.if %cond3A_207 {
      %mul3A_208 = arith.constant 640 : i32
      %mul3A_209 = arith.muli %arg1, %mul3A_208 : i32
      %mul3A_210 = arith.constant 640 : i32
      %mul3A_211 = arith.muli %arg1, %mul3A_210 : i32
      "tpu.region"() ({
        %run_scoped3A = tpu.sem_alloc : memref<!tpu.dma_semaphore, #tpu.memory_space<semaphore_mem>>
        %dma_start3A_212 = arith.constant 0 : i32
        %dma_start3A_213 = tpu.memref_slice %arg7[%mul3A_211, %dma_start3A_212] : memref<10240x128xf32, #tpu.memory_space<hbm>> -> memref<640x128xf32, #tpu.memory_space<hbm>>
        %dma_start3A_214 = arith.constant 0 : i32
        %dma_start3A_215 = tpu.memref_slice %arg17[%mul3A_209, %dma_start3A_214] : memref<10240x128xf32, #tpu.memory_space<vmem_shared>> -> memref<640x128xf32, #tpu.memory_space<vmem_shared>>
        tpu.enqueue_dma source(%dma_start3A_215 : memref<640x128xf32, #tpu.memory_space<vmem_shared>>) target(%dma_start3A_213 : memref<640x128xf32, #tpu.memory_space<hbm>>) target_semaphore(%run_scoped3A : memref<!tpu.dma_semaphore, #tpu.memory_space<semaphore_mem>>)
        %dma_wait3A = arith.constant 0 : i32
        %dma_wait3A_216 = tpu.memref_slice %arg7[%mul3A_211, %dma_wait3A] : memref<10240x128xf32, #tpu.memory_space<hbm>> -> memref<640x128xf32, #tpu.memory_space<hbm>>
        %dma_wait3A_217 = arith.constant 0 : i32
        %dma_wait3A_218 = tpu.memref_slice %arg17[%mul3A_209, %dma_wait3A_217] : memref<10240x128xf32, #tpu.memory_space<vmem_shared>> -> memref<640x128xf32, #tpu.memory_space<vmem_shared>>
        tpu.wait_dma2 semaphore(%run_scoped3A : memref<!tpu.dma_semaphore, #tpu.memory_space<semaphore_mem>>) src(%dma_wait3A_218 : memref<640x128xf32, #tpu.memory_space<vmem_shared>>) dst(%dma_wait3A_216 : memref<640x128xf32, #tpu.memory_space<hbm>>)
        tpu.yield
      }) : () -> ()
    } else {
    }
    return
  }
}

module attributes {stable_mosaic.version = 14 : i64} {
  func.func @_tc_body2(%arg0: i32, %arg1: memref<1000x2x128xf32, #tpu.memory_space<vmem>>, %arg2: memref<1000x128xf32, #tpu.memory_space<vmem>>, %arg3: memref<1000x128xf32, #tpu.memory_space<vmem>>, %arg4: memref<1000x1xf32, #tpu.memory_space<vmem>>, %arg5: memref<512x256xf32, #tpu.memory_space<vmem>>, %arg6: memref<1000x256xf32, #tpu.memory_space<vmem>>) attributes {dimension_semantics = [#tpu.dimension_semantics<arbitrary>], iteration_bounds = array<i64: 10>, scalar_prefetch = 0 : i64, scratch_operands = 0 : i64, tpu.core_type = #tpu.core_type<tc>, window_params = [{transform_indices = @transform_0, window_bounds = array<i64: 1000, 2, 128>}, {transform_indices = @transform_1, window_bounds = array<i64: 1000, 128>}, {transform_indices = @transform_2, window_bounds = array<i64: 1000, 128>}, {transform_indices = @transform_3, window_bounds = array<i64: 1000, 1>}, {pipeline_mode = #tpu.pipeline_mode<synchronous>, transform_indices = @transform_4, window_bounds = array<i64: 512, 256>}, {transform_indices = @transform_5, window_bounds = array<i64: 1000, 256>}]} {
    %get3A = arith.constant 0 : index
    %get3A_0 = arith.constant 0 : index
    %get3A_1 = arith.constant 0 : index
    %get3A_2 = vector.load %arg1[%get3A, %get3A_0, %get3A_1] : memref<1000x2x128xf32, #tpu.memory_space<vmem>>, vector<1000x1x128xf32>
    %get3A_3 = vector.shape_cast %get3A_2 : vector<1000x1x128xf32> to vector<1000x128xf32>
    %get3A_4 = arith.constant 0 : index
    %get3A_5 = arith.constant 1 : index
    %get3A_6 = arith.constant 0 : index
    %get3A_7 = vector.load %arg1[%get3A_4, %get3A_5, %get3A_6] : memref<1000x2x128xf32, #tpu.memory_space<vmem>>, vector<1000x1x128xf32>
    %get3A_8 = vector.shape_cast %get3A_7 : vector<1000x1x128xf32> to vector<1000x128xf32>
    %get3A_9 = arith.constant 0 : index
    %get3A_10 = arith.constant 0 : index
    %get3A_11 = vector.load %arg2[%get3A_9, %get3A_10] : memref<1000x128xf32, #tpu.memory_space<vmem>>, vector<1000x128xf32>
    %get3A_12 = arith.constant 0 : index
    %get3A_13 = arith.constant 0 : index
    %get3A_14 = vector.load %arg3[%get3A_12, %get3A_13] : memref<1000x128xf32, #tpu.memory_space<vmem>>, vector<1000x128xf32>
    %get3A_15 = arith.constant 0 : index
    %get3A_16 = arith.constant 0 : index
    %get3A_17 = vector.load %arg4[%get3A_15, %get3A_16] : memref<1000x1xf32, #tpu.memory_space<vmem>>, vector<1000x1xf32>
    %get3A_18 = arith.constant 0 : index
    %get3A_19 = arith.constant 0 : index
    %get3A_20 = vector.load %arg5[%get3A_18, %get3A_19] : memref<512x256xf32, #tpu.memory_space<vmem>>, vector<512x256xf32>
    %gt3A = arith.constant 0.000000e+00 : f32
    %gt3A_21 = vector.broadcast %gt3A : f32 to vector<1000x1xf32>
    %gt3A_22 = arith.cmpf ogt, %get3A_17, %gt3A_21 : vector<1000x1xf32>
    %max3A = arith.constant 1.000000e+00 : f32
    %max3A_23 = vector.broadcast %max3A : f32 to vector<1000x1xf32>
    %max3A_24 = arith.maximumf %get3A_17, %max3A_23 : vector<1000x1xf32>
    %div3A = arith.constant 1.000000e+00 : f32
    %div3A_25 = vector.broadcast %div3A : f32 to vector<1000x1xf32>
    %div3A_26 = arith.divf %div3A_25, %max3A_24 : vector<1000x1xf32>
    %mul3A = vector.broadcast %div3A_26 : vector<1000x1xf32> to vector<1000x128xf32>
    %mul3A_27 = arith.mulf %get3A_11, %mul3A : vector<1000x128xf32>
    %broadcast_in_dim3A = vector.shape_cast %gt3A_22 : vector<1000x1xi1> to vector<1000x1xi1>
    %broadcast_in_dim3A_28 = vector.broadcast %broadcast_in_dim3A : vector<1000x1xi1> to vector<1000x128xi1>
    %select_n3A = arith.select %broadcast_in_dim3A_28, %mul3A_27, %get3A_3 : vector<1000x128xi1>, vector<1000x128xf32>
    %mul3A_29 = vector.broadcast %div3A_26 : vector<1000x1xf32> to vector<1000x128xf32>
    %mul3A_30 = arith.mulf %get3A_14, %mul3A_29 : vector<1000x128xf32>
    %broadcast_in_dim3A_31 = vector.shape_cast %gt3A_22 : vector<1000x1xi1> to vector<1000x1xi1>
    %broadcast_in_dim3A_32 = vector.broadcast %broadcast_in_dim3A_31 : vector<1000x1xi1> to vector<1000x128xi1>
    %select_n3A_33 = arith.select %broadcast_in_dim3A_32, %mul3A_30, %get3A_8 : vector<1000x128xi1>, vector<1000x128xf32>
    %slice3A = vector.extract_strided_slice %get3A_20 {offsets = [0, 0], sizes = [128, 256], strides = [1, 1]} : vector<512x256xf32> to vector<128x256xf32>
    %dot_general3A = arith.constant dense<0.000000e+00> : vector<1000x256xf32>
    %dot_general3A_34 = tpu.matmul %get3A_3, %slice3A, %dot_general3A {dimension_numbers = #tpu.dot_dimension_numbers<[1], [0], [0], [1], [0, 0, 1, 1], [], []>, transpose_lhs_hint = false} : vector<1000x128xf32>, vector<128x256xf32>, vector<1000x256xf32> -> vector<1000x256xf32>
    %slice3A_35 = vector.extract_strided_slice %get3A_20 {offsets = [128, 0], sizes = [128, 256], strides = [1, 1]} : vector<512x256xf32> to vector<128x256xf32>
    %dot_general3A_36 = arith.constant dense<0.000000e+00> : vector<1000x256xf32>
    %dot_general3A_37 = tpu.matmul %get3A_8, %slice3A_35, %dot_general3A_36 {dimension_numbers = #tpu.dot_dimension_numbers<[1], [0], [0], [1], [0, 0, 1, 1], [], []>, transpose_lhs_hint = false} : vector<1000x128xf32>, vector<128x256xf32>, vector<1000x256xf32> -> vector<1000x256xf32>
    %add3A = arith.addf %dot_general3A_34, %dot_general3A_37 : vector<1000x256xf32>
    %slice3A_38 = vector.extract_strided_slice %get3A_20 {offsets = [256, 0], sizes = [128, 256], strides = [1, 1]} : vector<512x256xf32> to vector<128x256xf32>
    %dot_general3A_39 = arith.constant dense<0.000000e+00> : vector<1000x256xf32>
    %dot_general3A_40 = tpu.matmul %select_n3A, %slice3A_38, %dot_general3A_39 {dimension_numbers = #tpu.dot_dimension_numbers<[1], [0], [0], [1], [0, 0, 1, 1], [], []>, transpose_lhs_hint = false} : vector<1000x128xf32>, vector<128x256xf32>, vector<1000x256xf32> -> vector<1000x256xf32>
    %add3A_41 = arith.addf %add3A, %dot_general3A_40 : vector<1000x256xf32>
    %slice3A_42 = vector.extract_strided_slice %get3A_20 {offsets = [384, 0], sizes = [128, 256], strides = [1, 1]} : vector<512x256xf32> to vector<128x256xf32>
    %dot_general3A_43 = arith.constant dense<0.000000e+00> : vector<1000x256xf32>
    %dot_general3A_44 = tpu.matmul %select_n3A_33, %slice3A_42, %dot_general3A_43 {dimension_numbers = #tpu.dot_dimension_numbers<[1], [0], [0], [1], [0, 0, 1, 1], [], []>, transpose_lhs_hint = false} : vector<1000x128xf32>, vector<128x256xf32>, vector<1000x256xf32> -> vector<1000x256xf32>
    %add3A_45 = arith.addf %add3A_41, %dot_general3A_44 : vector<1000x256xf32>
    %max3A_46 = arith.constant 0.000000e+00 : f32
    %max3A_47 = vector.broadcast %max3A_46 : f32 to vector<1000x256xf32>
    %max3A_48 = arith.maximumf %add3A_45, %max3A_47 : vector<1000x256xf32>
    %swap3A = arith.constant 0 : index
    %swap3A_49 = arith.constant 0 : index
    %swap3A_50 = vector.load %arg6[%swap3A, %swap3A_49] : memref<1000x256xf32, #tpu.memory_space<vmem>>, vector<1000x256xf32>
    tpu.vector_store %arg6[%swap3A, %swap3A_49], %max3A_48 {strides = array<i32>} : memref<1000x256xf32, #tpu.memory_space<vmem>>, vector<1000x256xf32>,
    return
  }
  func.func @transform_0(%arg0: i32) -> (i32, i32, i32) {
    %c0_i32 = arith.constant 0 : i32
    %c0_i32_0 = arith.constant 0 : i32
    %c0_i32_1 = arith.constant 0 : i32
    return %arg0, %c0_i32, %c0_i32_0 : i32, i32, i32
  }
  func.func @transform_1(%arg0: i32) -> (i32, i32) {
    %c0_i32 = arith.constant 0 : i32
    %c0_i32_0 = arith.constant 0 : i32
    return %arg0, %c0_i32 : i32, i32
  }
  func.func @transform_2(%arg0: i32) -> (i32, i32) {
    %c0_i32 = arith.constant 0 : i32
    %c0_i32_0 = arith.constant 0 : i32
    return %arg0, %c0_i32 : i32, i32
  }
  func.func @transform_3(%arg0: i32) -> (i32, i32) {
    %c0_i32 = arith.constant 0 : i32
    %c0_i32_0 = arith.constant 0 : i32
    return %arg0, %c0_i32 : i32, i32
  }
  func.func @transform_4(%arg0: i32) -> (i32, i32) {
    %c0_i32 = arith.constant 0 : i32
    %c0_i32_0 = arith.constant 0 : i32
    %c0_i32_1 = arith.constant 0 : i32
    return %c0_i32, %c0_i32_0 : i32, i32
  }
  func.func @transform_5(%arg0: i32) -> (i32, i32) {
    %c0_i32 = arith.constant 0 : i32
    %c0_i32_0 = arith.constant 0 : i32
    return %arg0, %c0_i32 : i32, i32
  }
}

module attributes {stable_mosaic.version = 14 : i64} {
  func.func @_tc_body1(%arg0: i32, %arg1: memref<1000x256xf32, #tpu.memory_space<vmem>>, %arg2: memref<1000x128xf32, #tpu.memory_space<vmem>>, %arg3: memref<1000x128xf32, #tpu.memory_space<vmem>>, %arg4: memref<1000x1xf32, #tpu.memory_space<vmem>>, %arg5: memref<512x256xf32, #tpu.memory_space<vmem>>, %arg6: memref<1000x2x128xf32, #tpu.memory_space<vmem>>) attributes {dimension_semantics = [#tpu.dimension_semantics<arbitrary>], iteration_bounds = array<i64: 10>, scalar_prefetch = 0 : i64, scratch_operands = 0 : i64, tpu.core_type = #tpu.core_type<tc>, window_params = [{transform_indices = @transform_0, window_bounds = array<i64: 1000, 256>}, {transform_indices = @transform_1, window_bounds = array<i64: 1000, 128>}, {transform_indices = @transform_2, window_bounds = array<i64: 1000, 128>}, {transform_indices = @transform_3, window_bounds = array<i64: 1000, 1>}, {pipeline_mode = #tpu.pipeline_mode<synchronous>, transform_indices = @transform_4, window_bounds = array<i64: 512, 256>}, {transform_indices = @transform_5, window_bounds = array<i64: 1000, 2, 128>}]} {
    %get3A = arith.constant 0 : index
    %get3A_0 = arith.constant 0 : index
    %get3A_1 = vector.load %arg1[%get3A, %get3A_0] : memref<1000x256xf32, #tpu.memory_space<vmem>>, vector<1000x256xf32>
    %slice3A = vector.extract_strided_slice %get3A_1 {offsets = [0, 0], sizes = [1000, 128], strides = [1, 1]} : vector<1000x256xf32> to vector<1000x128xf32>
    %slice3A_2 = vector.extract_strided_slice %get3A_1 {offsets = [0, 128], sizes = [1000, 128], strides = [1, 1]} : vector<1000x256xf32> to vector<1000x128xf32>
    %get3A_3 = arith.constant 0 : index
    %get3A_4 = arith.constant 0 : index
    %get3A_5 = vector.load %arg2[%get3A_3, %get3A_4] : memref<1000x128xf32, #tpu.memory_space<vmem>>, vector<1000x128xf32>
    %get3A_6 = arith.constant 0 : index
    %get3A_7 = arith.constant 0 : index
    %get3A_8 = vector.load %arg3[%get3A_6, %get3A_7] : memref<1000x128xf32, #tpu.memory_space<vmem>>, vector<1000x128xf32>
    %get3A_9 = arith.constant 0 : index
    %get3A_10 = arith.constant 0 : index
    %get3A_11 = vector.load %arg4[%get3A_9, %get3A_10] : memref<1000x1xf32, #tpu.memory_space<vmem>>, vector<1000x1xf32>
    %get3A_12 = arith.constant 0 : index
    %get3A_13 = arith.constant 0 : index
    %get3A_14 = vector.load %arg5[%get3A_12, %get3A_13] : memref<512x256xf32, #tpu.memory_space<vmem>>, vector<512x256xf32>
    %gt3A = arith.constant 0.000000e+00 : f32
    %gt3A_15 = vector.broadcast %gt3A : f32 to vector<1000x1xf32>
    %gt3A_16 = arith.cmpf ogt, %get3A_11, %gt3A_15 : vector<1000x1xf32>
    %max3A = arith.constant 1.000000e+00 : f32
    %max3A_17 = vector.broadcast %max3A : f32 to vector<1000x1xf32>
    %max3A_18 = arith.maximumf %get3A_11, %max3A_17 : vector<1000x1xf32>
    %div3A = arith.constant 1.000000e+00 : f32
    %div3A_19 = vector.broadcast %div3A : f32 to vector<1000x1xf32>
    %div3A_20 = arith.divf %div3A_19, %max3A_18 : vector<1000x1xf32>
    %mul3A = vector.broadcast %div3A_20 : vector<1000x1xf32> to vector<1000x128xf32>
    %mul3A_21 = arith.mulf %get3A_5, %mul3A : vector<1000x128xf32>
    %broadcast_in_dim3A = vector.shape_cast %gt3A_16 : vector<1000x1xi1> to vector<1000x1xi1>
    %broadcast_in_dim3A_22 = vector.broadcast %broadcast_in_dim3A : vector<1000x1xi1> to vector<1000x128xi1>
    %select_n3A = arith.select %broadcast_in_dim3A_22, %mul3A_21, %slice3A : vector<1000x128xi1>, vector<1000x128xf32>
    %mul3A_23 = vector.broadcast %div3A_20 : vector<1000x1xf32> to vector<1000x128xf32>
    %mul3A_24 = arith.mulf %get3A_8, %mul3A_23 : vector<1000x128xf32>
    %broadcast_in_dim3A_25 = vector.shape_cast %gt3A_16 : vector<1000x1xi1> to vector<1000x1xi1>
    %broadcast_in_dim3A_26 = vector.broadcast %broadcast_in_dim3A_25 : vector<1000x1xi1> to vector<1000x128xi1>
    %select_n3A_27 = arith.select %broadcast_in_dim3A_26, %mul3A_24, %slice3A_2 : vector<1000x128xi1>, vector<1000x128xf32>
    %slice3A_28 = vector.extract_strided_slice %get3A_14 {offsets = [0, 0], sizes = [128, 256], strides = [1, 1]} : vector<512x256xf32> to vector<128x256xf32>
    %dot_general3A = arith.constant dense<0.000000e+00> : vector<1000x256xf32>
    %dot_general3A_29 = tpu.matmul %slice3A, %slice3A_28, %dot_general3A {dimension_numbers = #tpu.dot_dimension_numbers<[1], [0], [0], [1], [0, 0, 1, 1], [], []>, transpose_lhs_hint = false} : vector<1000x128xf32>, vector<128x256xf32>, vector<1000x256xf32> -> vector<1000x256xf32>
    %slice3A_30 = vector.extract_strided_slice %get3A_14 {offsets = [128, 0], sizes = [128, 256], strides = [1, 1]} : vector<512x256xf32> to vector<128x256xf32>
    %dot_general3A_31 = arith.constant dense<0.000000e+00> : vector<1000x256xf32>
    %dot_general3A_32 = tpu.matmul %slice3A_2, %slice3A_30, %dot_general3A_31 {dimension_numbers = #tpu.dot_dimension_numbers<[1], [0], [0], [1], [0, 0, 1, 1], [], []>, transpose_lhs_hint = false} : vector<1000x128xf32>, vector<128x256xf32>, vector<1000x256xf32> -> vector<1000x256xf32>
    %add3A = arith.addf %dot_general3A_29, %dot_general3A_32 : vector<1000x256xf32>
    %slice3A_33 = vector.extract_strided_slice %get3A_14 {offsets = [256, 0], sizes = [128, 256], strides = [1, 1]} : vector<512x256xf32> to vector<128x256xf32>
    %dot_general3A_34 = arith.constant dense<0.000000e+00> : vector<1000x256xf32>
    %dot_general3A_35 = tpu.matmul %select_n3A, %slice3A_33, %dot_general3A_34 {dimension_numbers = #tpu.dot_dimension_numbers<[1], [0], [0], [1], [0, 0, 1, 1], [], []>, transpose_lhs_hint = false} : vector<1000x128xf32>, vector<128x256xf32>, vector<1000x256xf32> -> vector<1000x256xf32>
    %add3A_36 = arith.addf %add3A, %dot_general3A_35 : vector<1000x256xf32>
    %slice3A_37 = vector.extract_strided_slice %get3A_14 {offsets = [384, 0], sizes = [128, 256], strides = [1, 1]} : vector<512x256xf32> to vector<128x256xf32>
    %dot_general3A_38 = arith.constant dense<0.000000e+00> : vector<1000x256xf32>
    %dot_general3A_39 = tpu.matmul %select_n3A_27, %slice3A_37, %dot_general3A_38 {dimension_numbers = #tpu.dot_dimension_numbers<[1], [0], [0], [1], [0, 0, 1, 1], [], []>, transpose_lhs_hint = false} : vector<1000x128xf32>, vector<128x256xf32>, vector<1000x256xf32> -> vector<1000x256xf32>
    %add3A_40 = arith.addf %add3A_36, %dot_general3A_39 : vector<1000x256xf32>
    %max3A_41 = arith.constant 0.000000e+00 : f32
    %max3A_42 = vector.broadcast %max3A_41 : f32 to vector<1000x256xf32>
    %max3A_43 = arith.maximumf %add3A_40, %max3A_42 : vector<1000x256xf32>
    %slice3A_44 = vector.extract_strided_slice %max3A_43 {offsets = [0, 0], sizes = [1000, 128], strides = [1, 1]} : vector<1000x256xf32> to vector<1000x128xf32>
    %swap3A = arith.constant 0 : index
    %swap3A_45 = arith.constant 0 : index
    %swap3A_46 = arith.constant 0 : index
    %swap3A_47 = vector.load %arg6[%swap3A, %swap3A_45, %swap3A_46] : memref<1000x2x128xf32, #tpu.memory_space<vmem>>, vector<1000x1x128xf32>
    %swap3A_48 = vector.shape_cast %swap3A_47 : vector<1000x1x128xf32> to vector<1000x128xf32>
    %swap3A_49 = vector.shape_cast %slice3A_44 : vector<1000x128xf32> to vector<1000x1x128xf32>
    tpu.vector_store %arg6[%swap3A, %swap3A_45, %swap3A_46], %swap3A_49 {strides = array<i32>} : memref<1000x2x128xf32, #tpu.memory_space<vmem>>, vector<1000x1x128xf32>,
    %slice3A_50 = vector.extract_strided_slice %max3A_43 {offsets = [0, 128], sizes = [1000, 128], strides = [1, 1]} : vector<1000x256xf32> to vector<1000x128xf32>
    %swap3A_51 = arith.constant 0 : index
    %swap3A_52 = arith.constant 1 : index
    %swap3A_53 = arith.constant 0 : index
    %swap3A_54 = vector.load %arg6[%swap3A_51, %swap3A_52, %swap3A_53] : memref<1000x2x128xf32, #tpu.memory_space<vmem>>, vector<1000x1x128xf32>
    %swap3A_55 = vector.shape_cast %swap3A_54 : vector<1000x1x128xf32> to vector<1000x128xf32>
    %swap3A_56 = vector.shape_cast %slice3A_50 : vector<1000x128xf32> to vector<1000x1x128xf32>
    tpu.vector_store %arg6[%swap3A_51, %swap3A_52, %swap3A_53], %swap3A_56 {strides = array<i32>} : memref<1000x2x128xf32, #tpu.memory_space<vmem>>, vector<1000x1x128xf32>,
    return
  }
  func.func @transform_0(%arg0: i32) -> (i32, i32) {
    %c0_i32 = arith.constant 0 : i32
    %c0_i32_0 = arith.constant 0 : i32
    return %arg0, %c0_i32 : i32, i32
  }
  func.func @transform_1(%arg0: i32) -> (i32, i32) {
    %c0_i32 = arith.constant 0 : i32
    %c0_i32_0 = arith.constant 0 : i32
    return %arg0, %c0_i32 : i32, i32
  }
  func.func @transform_2(%arg0: i32) -> (i32, i32) {
    %c0_i32 = arith.constant 0 : i32
    %c0_i32_0 = arith.constant 0 : i32
    return %arg0, %c0_i32 : i32, i32
  }
  func.func @transform_3(%arg0: i32) -> (i32, i32) {
    %c0_i32 = arith.constant 0 : i32
    %c0_i32_0 = arith.constant 0 : i32
    return %arg0, %c0_i32 : i32, i32
  }
  func.func @transform_4(%arg0: i32) -> (i32, i32) {
    %c0_i32 = arith.constant 0 : i32
    %c0_i32_0 = arith.constant 0 : i32
    %c0_i32_1 = arith.constant 0 : i32
    return %c0_i32, %c0_i32_0 : i32, i32
  }
  func.func @transform_5(%arg0: i32) -> (i32, i32, i32) {
    %c0_i32 = arith.constant 0 : i32
    %c0_i32_0 = arith.constant 0 : i32
    %c0_i32_1 = arith.constant 0 : i32
    return %arg0, %c0_i32, %c0_i32_0 : i32, i32, i32
  }
}

</mosaic_0001>

<sc_bundles>
// kernel: kernel.6.cloned.1.call-start
scs
__scs_entry_jumppad:
0x0: {  	(pc) =	sbr.rel $0x88, $3  }
0x1: {  	(tag) =	ssettag $0x0;
	lr =	simm.s32 $0x1  }
0x2: {  	[smem:$0x3F9D] =	sst lr;
	_ =	strace $0xD0000000  }
0x3: {  	_ = 	snop  }
0x4: {  	_ = 	snop  }
0x5: {  	_ = 	snop  }
0x6: {  	_ = 	snop  }
0x7: {  	_ = 	snop  }
__scs_overlays_trampoline_lowered:
0x8: {  	[smem:$0x3FAC] =	sst s0  }
0x9: {  	[smem:$0x3FAD] =	sst s1  }
0xa: {  	[smem:$0x3FAE] =	sst s2  }
0xb: {  	[smem:$0x3FAF] =	sst s3  }
0xc: {  	[smem:$0x3FB0] =	sst s4  }
0xd: {  	[smem:$0x3FB1] =	sst s5  }
0xe: {  	[smem:$0x3FB2] =	sst s6  }
0xf: {  	[smem:$0x3FB3] =	sst s7  }
0x10: {  	[smem:$0x3FB4] =	sst s8  }
0x11: {  	[smem:$0x3FB5] =	sst s9;
	s0 =	simm.s32 @!p0 $0x0  }
0x12: {  	s1 =	sld [smem:$0x3F9B];
	s0 =	simm.s32 @p0 $0x1  }
0x13: {  	[smem:$0x3FB6] =	sst s0;
	s0 =	simm.s32 @!p1 $0x0  }
0x14: {  	s2 =	sld [smem:$0x3F9A];
	s0 =	simm.s32 @p1 $0x1  }
0x15: {  	[smem:$0x3FB7] =	sst s0;
	s0 =	simm.s32 @!p2 $0x0  }
0x16: {  	s3 =	sld [smem:$0x3FDB];
	s0 =	simm.s32 @p2 $0x1  }
0x17: {  	s4 =	simm.s32 $0x1BF5;
	[smem:$0x3FB9] =	sst s0  }
0x18: {  	s0 =	sld [smem:$0x3F9C];
	_ =	swait.ge [sflag:s4], $0x0  }
0x19: {  	s7 =	sld [smem:$0x3F9D]  }
0x1a: {  	s8 =	sadd.s32 $0xFFFFE003, lr  }
0x1b: {  	s9 =	sadd.s32 $0xFFFFFEF7, lr;
	s5 =	simm.s32 $0xFFFFFFFF;
	p2 =	slt.u32 s8, $0xFFFFF086  }
0x1c: {  	p1 =	slt.u32 s9, $0xF7A;
	s5 =	simm.s32 @!p2 $0x0  }
0x1d: {  	s5 =	simm.s32 @p1 $0x1;
	p0 =	seq.s32 s7, s2  }
0x1e: {  	s7 =	smul.u32 @!p0 $0xF7A, s2;
	p2 =	seq.s32 @!p0 s5, $0x0  }
0x1f: {  	s9 =	smul.u32 $0xF7A, s1;
	s8 =	simm.s32 @!p0 $0x1BF5;
	p2 =	por !p2, p0  }
0x20: {  	[sflag:s8] =	ssyncset.s32 @!p0 $0xFFFFF086;
	s6 =	sadd.s32 @!p0 s3, s7;
	s7 =	simm.s32 @!p0 $0x108  }
0x21: {  	s3 =	sadd.s32 s3, s9;
	s6 =	sadd.s32 @!p0 $0x88, s6;
	s7 =	simm.s32 @p2 $0x1082  }
0x22: {  	[simem:s7], [sflag:s8] =	dma.local @!p0 [hbm:s6], $0xF7A  }
0x23: {  	s9 =	sor.u32 $0xD0000000, s2;
	s6 =	simm.s32 $0x108;
	_ =	swait.ge @!p0 [sflag:s8], $0x0  }
0x24: {  	s3 =	sadd.s32 $0x88, s3;
	s6 =	simm.s32 @!p1 $0x1082;
	[sflag:s4] =	ssyncset.s32 $0xFFFFF086  }
0x25: {  	[simem:s6], [sflag:s4] =	dma.local [hbm:s3], $0xF7A  }
0x26: {  	[smem:$0x3F9D] =	sst s1;
	(tag) =	ssettag s2;
	_ =	strace s9  }
0x27: {  	s1 =	sld [smem:$0x3FAD]  }
0x28: {  	s2 =	sld [smem:$0x3FAE]  }
0x29: {  	s4 =	sld [smem:$0x3FB0]  }
0x2a: {  	p0 =	seq.s32 s5, $0x0;
	s5 =	sld [smem:$0x3FB1]  }
0x2b: {  	s6 =	sld [smem:$0x3FB2]  }
0x2c: {  	s7 =	sld [smem:$0x3FB3]  }
0x2d: {  	s3 =	simm.s32 $0x108;
	s8 =	sld [smem:$0x3FB4]  }
0x2e: {  	s3 =	simm.s32 @!p0 $0x1082;
	s9 =	sld [smem:$0x3FB5]  }
0x2f: {  	lr =	sadd.s32 s0, s3;
	s0 =	sld [smem:$0x3FAC]  }
0x30: {  	s3 =	sld [smem:$0x3FAF]  }
0x31: {  	[smem:$0x3FB8] =	sst s10  }
0x32: {  	s10 =	sld [smem:$0x3FB6];
	_ =	sdelay $0x3  }
0x33: {  	p0 =	seq.s32 s10, $0x1;
	s10 =	sld [smem:$0x3FB8];
	_ =	sdelay $0x3  }
0x34: {  	[smem:$0x3FB8] =	sst s10  }
0x35: {  	s10 =	sld [smem:$0x3FB7];
	_ =	sdelay $0x3  }
0x36: {  	p1 =	seq.s32 s10, $0x1;
	s10 =	sld [smem:$0x3FB8];
	_ =	sdelay $0x3  }
0x37: {  	[smem:$0x3FB8] =	sst s10  }
0x38: {  	s10 =	sld [smem:$0x3FB9]  }
0x39: {  	_ = 	snop;
	(pc) =	sbr.ind lr, $3  }
0x3a: {  	_ = 	snop  }
0x3b: {  	_ = 	snop  }
0x3c: {  	p2 =	seq.s32 s10, $0x1;
	s10 =	sld [smem:$0x3FB8]  }
0x3d: {  	_ =	shalt  }
0x3e: {  	_ =	shalt  }
0x3f: {  	_ =	shalt  }
0x40: {  	_ =	shalt  }
0x41: {  	_ =	shalt  }
0x42: {  	_ =	shalt  }
0x43: {  	_ =	shalt  }
0x44: {  	_ =	shalt  }
0x45: {  	_ =	shalt  }
0x46: {  	_ =	shalt  }
0x47: {  	_ =	shalt  }
0x48: {  	_ =	shalt  }
0x49: {  	_ =	shalt  }
0x4a: {  	_ =	shalt  }
0x4b: {  	_ =	shalt  }
0x4c: {  	_ =	shalt  }
0x4d: {  	_ =	shalt  }
0x4e: {  	_ =	shalt  }
0x4f: {  	_ =	shalt  }
0x50: {  	_ =	shalt  }
0x51: {  	_ =	shalt  }
0x52: {  	_ =	shalt  }
0x53: {  	_ =	shalt  }
0x54: {  	_ =	shalt  }
0x55: {  	_ =	shalt  }
0x56: {  	_ =	shalt  }
0x57: {  	_ =	shalt  }
0x58: {  	_ =	shalt  }
0x59: {  	_ =	shalt  }
0x5a: {  	_ =	shalt  }
0x5b: {  	_ =	shalt  }
0x5c: {  	_ =	shalt  }
0x5d: {  	_ =	shalt  }
0x5e: {  	_ =	shalt  }
0x5f: {  	_ =	shalt  }
0x60: {  	_ =	shalt  }
0x61: {  	_ =	shalt  }
0x62: {  	_ =	shalt  }
0x63: {  	_ =	shalt  }
0x64: {  	_ =	shalt  }
0x65: {  	_ =	shalt  }
0x66: {  	_ =	shalt  }
0x67: {  	_ =	shalt  }
0x68: {  	_ =	shalt  }
0x69: {  	_ =	shalt  }
0x6a: {  	_ =	shalt  }
0x6b: {  	_ =	shalt  }
0x6c: {  	_ =	shalt  }
0x6d: {  	_ =	shalt  }
0x6e: {  	_ =	shalt  }
0x6f: {  	_ =	shalt  }
0x70: {  	_ =	shalt  }
0x71: {  	_ =	shalt  }
0x72: {  	_ =	shalt  }
0x73: {  	_ =	shalt  }
0x74: {  	_ =	shalt  }
0x75: {  	_ =	shalt  }
0x76: {  	_ =	shalt  }
0x77: {  	_ =	shalt  }
0x78: {  	_ =	shalt  }
0x79: {  	_ =	shalt  }
0x7a: {  	_ =	shalt  }
0x7b: {  	_ =	shalt  }
0x7c: {  	_ =	shalt  }
0x7d: {  	_ =	shalt  }
0x7e: {  	_ =	shalt  }
0x7f: {  	_ =	shalt  }
0x80: {  	_ =	shalt  }
0x81: {  	_ =	shalt  }
0x82: {  	_ =	shalt  }
0x83: {  	_ =	shalt  }
0x84: {  	_ =	shalt  }
0x85: {  	_ =	shalt  }
0x86: {  	_ =	shalt  }
0x87: {  	_ =	shalt  }
.Lfunc_end0:
.L_simem_size_0:
called_computation_lowered:
.L_overlay_start_0:
0x88: {  	s2 =	sld [smem:$0x3FD9]  }
0x89: {  	s3 =	sld [smem:$0x3FFE];
	_ =	sdelay $0x1  }
0x8a: {  	s1 =	srdreg.scid  }
0x8b: {  	s0 =	sand.u32 $0x1, s1  }
0x8c: {  	s17 =	sshll.u32 s0, $0xA;
	s2 =	sadd.s32 s3, s2  }
0x8d: {  	s2 =	sadd.s32 s2, s17  }
0x8e: {  	[smem:$0x3FC4] =	sst s2  }
0x8f: {  	_ = 	snop  }
0x90: {  	s2 =	sld [smem:$0x3FD0];
	(tm) =	ssettm $0x1  }
0x91: {  	s18 =	sld [smem:$0x3FFB];
	_ =	sdelay $0x3  }
0x92: {  	_ =	strace s18  }
0x93: {  	s3 =	sld [smem:$0x3FFC];
	_ =	sdelay $0x3  }
0x94: {  	_ =	strace s3  }
0x95: {  	s3 =	sld [smem:$0x3FFD];
	_ =	sdelay $0x3  }
0x96: {  	_ =	strace s3  }
0x97: {  	_ =	strace $0x8FFFFFFF  }
0x98: {  	s19 =	sld [smem:$0x3FDB];
	_ =	sdelay $0x1  }
0x99: {  	s4 =	simm.s32 $_scs_section_size  }
0x9a: {  	s5 =	simm.s32 $_size__tile_overlayer_lowered;
	s6 =	simm.s32 $_tile_overlayer_lowered  }
0x9b: {  	s22 =	simm.s32 $0x1BFF;
	s21 =	sshll.u32 s6, $0x1;
	s3 =	sadd.s32 s4, s19  }
0x9c: {  	s7 =	simm.s32 $0x0;
	s20 =	sshll.u32 s5, $0x1;
	s5 =	sadd.s32 s21, s3  }
0x9d: {  	[timem:s7], [sflag:s22] =	dma.local [hbm:s5], s20  }
0x9e: {  	_ =	swait.ge [sflag:s22], s20  }
0x9f: {  	s4 =	ssub.s32 $0x0, s20;
	[sflag:s22] =	ssyncset.done $0x0  }
0xa0: {  	[sflag:s22] =	ssyncadd.s32 s4;
	_ =	sdelay $0x1  }
0xa1: {  	s23 =	simm.s32 $0x1B8B  }
0xa2: {  	_ =	swait.ge [sflag:s23], $0x1  }
0xa3: {  	[sflag:s23] =	ssyncset.done $0x0  }
0xa4: {  	s25 =	simm.s32 $0x1B8E;
	s24 =	sld [smem:$0x3FFE];
	[sflag:s23] =	ssyncadd.s32 $0xFFFFFFFF  }
0xa5: {  	s26 =	simm.s32 $execute0_lowered;
	[smem:$0x3FD2] =	sst s25  }
0xa6: {  	s5 =	sshll.u32 s26, $0x1;
	_ =	strace $0x80000046;
	[dreg:$0x1] =	wrdreg $0xFFFFFFFF  }
0xa7: {  	s28 =	simm.s32 $_size_execute0_lowered;
	s3 =	sadd.s32 s3, s5;
	[dreg:$0x0] =	wrdreg $0x0  }
0xa8: {  	s5 =	sshll.u32 s28, $0x1;
	[dreg:$0x2] =	wrdreg s3  }
0xa9: {  	[dreg:$0x3] =	wrdreg s5  }
0xaa: {  	[dreg:$0x4] =	wrdreg $0xC0  }
0xab: {  	_ =	task [dreg:s7], $0x5FFFF  }
0xac: {  	[dreg:$0x1] =	wrdreg $0xFFFFFFFF  }
0xad: {  	[dreg:$0x0] =	wrdreg $0x60  }
0xae: {  	[dreg:$0x2] =	wrdreg s2  }
0xaf: {  	[dreg:$0x3] =	wrdreg s24  }
0xb0: {  	[dreg:$0x4] =	wrdreg $0xA3000  }
0xb1: {  	[dreg:$0x5] =	wrdreg $0x1E3000  }
0xb2: {  	[dreg:$0x6] =	wrdreg $0x9  }
0xb3: {  	_ =	task.clear_ibuf [dreg:s7], $0x7FFFF;
	_ =	strace $0x90000046  }
0xb4: {  	s29 =	simm.s32 $0x9;
	_ =	strace $0x80000048  }
0xb5: {  	_ =	swait.ge [sflag:s29], $0x1  }
0xb6: {  	[sflag:s29] =	ssyncadd.s32 $0xFFFFFFFF  }
0xb7: {  	_ =	strace $0x90000048  }
0xb8: {  	_ =	sfence  }
0xb9: {  	s30 =	sld [smem:$0x0];
	_ =	sdelay $0x2  }
0xba: {  	s31 =	sshll.u32 s1, $0xD;
	s1 =	sshrl.u32 s1, $0x2  }
0xbb: {  	s3 =	sand.u32 $0x4000, s31;
	s1 =	sadd.s32 s1, s30  }
0xbc: {  	s0 =	sor.u32 s3, s0;
	s1 =	sshll.u32 s1, $0x11  }
0xbd: {  	s0 =	sor.u32 s1, s0  }
0xbe: {  	s0 =	sadd.s32 $0x8F2B, s0  }
0xbf: {  	[sflag:s0] =	ssyncadd.remote.s32 $0x1  }
0xc0: {  	_ =	sfence.sel $0xFFFF  }
0xc1: {  	[dreg:$0x0] =	wrdreg $0xFFFFFFFF;
	(pc) =	sbr.abs _section_cstart, $3  }
0xc2: {  	[dreg:$0x1] =	wrdreg $0xFFFFFFFF  }
0xc3: {  	_ =	task.clear_ibuf [dreg:s7], $0x2FFFF;
	_ =	strace $0x9FFFFFFF  }
0xc4: {  	(tm) =	ssettm $0x7FFFFFFF  }
0xc5: {  	_ =	shalt  }
tec
execute0_lowered:
.L_overlay_start_1:
0x0: {  	(tag) =	ssettag $0x1  }
0x1: {  	s1 =	rddreg [dreg:$0x0]  }
0x2: {  	s2 =	rddreg [dreg:$0x1]  }
0x3: {  	s3 =	rddreg [dreg:$0x2];
	s5 =	srdreg.scid  }
0x4: {  	s0 =	stileid.u32;
	s4 =	rddreg [dreg:$0x3]  }
0x5: {  	s15 =	simm.s32 $0x5;
	s20 =	simm.s32 $0x5000;
	s21 =	simm.s32 $0x1  }
0x6: {  	s23 =	simm.s32 $0x4F00;
	s24 =	simm.s32 $0xA000;
	s6 =	smul.u32 $0x2710, s0  }
0x7: {  	s25 =	simm.s32 $0x2;
	s26 =	simm.s32 $0x4F80;
	s8 =	smul.u32 $0x2800, s0  }
0x8: {  	s28 =	simm.s32 $0x0;
	s22 =	sand.u32 $0x1, s5;
	s10 =	smul.u32 $0x280, s0  }
0x9: {  	s5 =	simm.s32 $0x0;
	s12 =	smul.u32 $0x50000, s0;
	s31 =	sshll.u32 s0, $0x6  }
0xa: {  	s7 =	smul.u32 $0x27100, s22;
	[smem:$0x7FF] =	sst s5;
	s11 =	ssub.s32 $0x2, s22  }
0xb: {  	p0 =	seq.s32 s22, $0x1;
	s17 =	sor.u32 $0x1C05, s31;
	p1 =	sne.s32 s22, $0x0  }
0xc: {  	s22 =	simm.s32 $0x50;
	_ =	strace $0x80000047;
	s13 =	sadd.s32 s8, s2  }
0xd: {  	s29 =	sshrl.u32 s10, $0x3;
	s14 =	sshrl.u32 s11, $0x1;
	s30 =	sshrl.u32 s12, $0x2  }
0xe: {  	s10 =	sadd.s32 s10, s4;
	s7 =	sadd.s32 s6, s7;
	s6 =	sshrl.u32 s6, $0x3  }
.Ltmp0:
0xf: {  	s14 =	ssub.s32 s11, s14;
	s11 =	sadd.s32 $0x13000, s13;
	(pc) =	sbr.rel .LBB2_1-.Ltmp0, $4  }
0x10: {  	s13 =	sadd.s32 $0x3B000, s13;
	s7 =	sshrl.u32 s7, $0x3;
	s9 =	sadd.s32 s6, s2  }
0x11: {  	s6 =	sadd.s32 $0x10200, s2;
	s14 =	smax.u32 s14, $0x1;
	s7 =	sadd.s32 s7, s2  }
0x12: {  	s2 =	sadd.s32 s29, s2;
	s8 =	sadd.s32 $0x1400, s9;
	s9 =	sadd.s32 s30, s3  }
0x13: {  	v0 =	vimm.f32 $0.0e+00;
	v1 =	vimm.f32 $1.000000000e+00;
	s7 =	sadd.s32 $0x6400, s7;
	s12 =	sadd.s32 $0x12A00, s2;
	s18 =	sshrl.u32 s9, $0x3  }
.LBB2_9:
0x14: {  	[bflag:$0x0] =	sbarrier.arrive $0xFFFF;
	s0 =	sshrl.u32 @p0 s9, $0x3  }
0x15: {  	[hbm:s13], [sflag:s17] =	dma.local @p0 [spmem:s0], $0x2800  }
0x16: {  	s0 =	simm.s32 @p0 $0x5  }
0x17: {  	_ =	swait.ge @p0 [sflag:s0], $0x2800  }
0x18: {  	[sflag:s0] =	ssyncset.done @p0 $0x0  }
0x19: {  	[sflag:s0] =	ssyncadd.s32 @p0 $0xFFFFD800;
	s0 =	sshrl.u32 @!p0 s9, $0x3  }
0x1a: {  	[hbm:s11], [sflag:s17] =	dma.local @!p0 [spmem:s0], $0x2800  }
0x1b: {  	s0 =	simm.s32 @!p0 $0x5  }
0x1c: {  	s28 =	sadd.s32 $0x1, s28;
	_ =	swait.ge @!p0 [sflag:s0], $0x2800  }
0x1d: {  	p2 =	sne.s32 s28, s14;
	[sflag:s0] =	ssyncset.done @!p0 $0x0  }
.Ltmp1:
0x1e: {  	s2 =	sshrl.u32 @!p0 s10, $0x3;
	[sflag:s0] =	ssyncadd.s32 @!p0 $0xFFFFD800;
	(pc) =	sbr.rel @!p2 .LBB2_10-.Ltmp1, $4  }
0x1f: {  	[hbm:s12], [sflag:s17] =	dma.local @!p0 [spmem:s2], $0x50  }
0x20: {  	_ =	swait.ge @!p0 [sflag:s0], $0x50  }
0x21: {  	[sflag:s0] =	ssyncset.done @!p0 $0x0  }
0x22: {  	[sflag:s0] =	ssyncadd.s32 @!p0 $0xFFFFFFB0  }
.LBB2_1:
0x23: {  	[tilespmem:s5], [sflag:$0x5] =	stream.linear.gather [hbm4b:s7+s5], $0x2710, $0x38;
	[tilespmem:$0x1E580] =	vst v63  }
0x24: {  	_ =	swait.ge [sflag:s15], $0x2710  }
0x25: {  	[sflag:s15] =	ssyncset.done $0x0  }
0x26: {  	s0 =	simm.s32 $0x2780;
	[sflag:s15] =	ssyncadd.s32 $0xFFFFD8F0  }
0x27: {  	[tilespmem:s0], [sflag:$0x5] =	stream.linear.gather [hbm4b:s8+s5], $0x2710, $0x38;
	[tilespmem:$0x1E580] =	vst v63  }
0x28: {  	_ =	swait.ge [sflag:s15], $0x2710  }
0x29: {  	[sflag:s15] =	ssyncset.done $0x0  }
0x2a: {  	[sflag:s15] =	ssyncadd.s32 $0xFFFFD8F0  }
0x2b: {  	[tilespmem:$0xA080] =	vst v0  }
0x2c: {  	[tilespmem:$0xA090] =	vst v0  }
0x2d: {  	[tilespmem:$0xA0A0] =	vst v0  }
0x2e: {  	[tilespmem:$0xA0B0] =	vst v0  }
0x2f: {  	[tilespmem:$0xA0C0] =	vst v0  }
0x30: {  	[tilespmem:$0xA0D0] =	vst v0  }
0x31: {  	[tilespmem:$0xA0E0] =	vst v0  }
0x32: {  	[tilespmem:$0xA0F0] =	vst v0  }
0x33: {  	[tilespmem:$0xA100] =	vst v0  }
0x34: {  	[tilespmem:$0xA110] =	vst v0  }
0x35: {  	[tilespmem:$0xA120] =	vst v0  }
0x36: {  	[tilespmem:$0xA130] =	vst v0  }
0x37: {  	[tilespmem:$0xA140] =	vst v0  }
0x38: {  	[tilespmem:$0xA150] =	vst v0  }
0x39: {  	[tilespmem:$0xA160] =	vst v0  }
0x3a: {  	[tilespmem:$0xA170] =	vst v0  }
0x3b: {  	[tilespmem:$0xA180] =	vst v0  }
0x3c: {  	[tilespmem:$0xA190] =	vst v0  }
0x3d: {  	[tilespmem:$0xA1A0] =	vst v0  }
0x3e: {  	[tilespmem:$0xA1B0] =	vst v0  }
0x3f: {  	[tilespmem:$0xA1C0] =	vst v0  }
0x40: {  	[tilespmem:$0xA1D0] =	vst v0  }
0x41: {  	[tilespmem:$0xA1E0] =	vst v0  }
0x42: {  	[tilespmem:$0xA1F0] =	vst v0  }
0x43: {  	[tilespmem:$0xA200] =	vst v0  }
0x44: {  	[tilespmem:$0xA210] =	vst v0  }
0x45: {  	[tilespmem:$0xA220] =	vst v0  }
0x46: {  	[tilespmem:$0xA230] =	vst v0  }
0x47: {  	[tilespmem:$0xA240] =	vst v0  }
0x48: {  	[tilespmem:$0xA250] =	vst v0  }
0x49: {  	[tilespmem:$0xA260] =	vst v0  }
0x4a: {  	[tilespmem:$0xA270] =	vst v0  }
0x4b: {  	[tilespmem:$0xA280] =	vst v0  }
0x4c: {  	[tilespmem:$0xA290] =	vst v0  }
0x4d: {  	[tilespmem:$0xA2A0] =	vst v0  }
0x4e: {  	[tilespmem:$0xA2B0] =	vst v0  }
0x4f: {  	[tilespmem:$0xA2C0] =	vst v0  }
0x50: {  	[tilespmem:$0xA2D0] =	vst v0  }
0x51: {  	[tilespmem:$0xA2E0] =	vst v0  }
0x52: {  	[tilespmem:$0xA2F0] =	vst v0  }
0x53: {  	[tilespmem:$0xA000] =	vst v1  }
0x54: {  	[tilespmem:$0xA010] =	vst v1  }
0x55: {  	[tilespmem:$0xA020] =	vst v1  }
0x56: {  	[tilespmem:$0xA030] =	vst v1  }
0x57: {  	[tilespmem:$0xA040] =	vst v1  }
0x58: {  	[spmem:s18], [sflag:s17] =	dma.local [hbm:s6], $0x2800  }
0x59: {  	_ =	swait.ge [sflag:s15], $0x2800  }
0x5a: {  	[sflag:s15] =	ssyncset.done $0x0  }
0x5b: {  	s19 =	simm.s32 $0xA080;
	[sflag:s15] =	ssyncadd.s32 $0xFFFFD800  }
0x5c: {  	[spmem:s10] =	stream.linear.scatter [tilespmem:s19], [sflag:$0x5], $0x280, $0x38;
	[tilespmem:$0x1E580] =	vst v63  }
.Ltmp2:
0x5d: {  	_ =	swait.ge [sflag:s15], $0x280;
	(pc) =	sbr.rel .LBB2_2-.Ltmp2, $4  }
0x5e: {  	[sflag:s15] =	ssyncset.done $0x0  }
0x5f: {  	s29 =	simm.s32 $0x27A0;
	[sflag:s15] =	ssyncadd.s32 $0xFFFFFD80  }
0x60: {  	s30 =	simm.s32 $0x50;
	s31 =	simm.s32 $0x0;
	[bflag:$0x0] =	sbarrier.arrive $0xFFFF  }
0x61: {  	[tilespmem:s20], [sflag:$0x1] =	stream.indirect.gather [hbm4b:s1+s22], $0x80, s5, s22, $0xb8;
	[tilespmem:$0x1E580] =	vst v63  }
.LBB2_7:
0x62: {  	_ =	swait.ge [sflag:s2], $0x50  }
0x63: {  	[sflag:s2] =	ssyncset.done $0x0  }
0x64: {  	[sflag:s2] =	ssyncadd.s32 $0xFFFFFFB0  }
.LBB2_8:
0x65: {  	p2 =	sne.s32 s31, $0x7D  }
.Ltmp3:
0x66: {  	_ = 	snop;
	(pc) =	sbr.rel @!p2 .LBB2_9-.Ltmp3, $2  }
0x67: {  	_ =	sdelay $0x2  }
0x68: {  	s30 =	sadd.s32 $0x50, s30;
	s29 =	sadd.s32 $0x50, s29  }
.LBB2_2:
0x69: {  	s2 =	smov.u32 s31;
	s31 =	sadd.s32 $0x1, s31  }
0x6a: {  	s0 =	sand.u32 $0x1, s31  }
0x6b: {  	p2 =	seq.s32 s2, $0x7C;
	p3 =	seq.s32 s0, $0x1  }
0x6c: {  	p4 =	por !p3, p2  }
0x6d: {  	p5 =	seq.s32 @!p4 s2, $0x0  }
0x6e: {  	p3 =	por @!p2 p5, !p3  }
0x6f: {  	p2 =	por p3, p2  }
0x70: {  	s0 =	simm.s32 @!p2 $0x4  }
0x71: {  	_ =	swait.ge @!p2 [sflag:s0], $0x2800  }
0x72: {  	[sflag:s0] =	ssyncset.done @!p2 $0x0  }
0x73: {  	s16 =	simm.s32 @!p4 $0x7800;
	[sflag:s0] =	ssyncadd.s32 @!p2 $0xFFFFD800;
	s0 =	simm.s32 @!p4 $0x50  }
0x74: {  	[tilespmem:s16], [sflag:$0x2] =	stream.indirect.gather @!p4 [hbm4b:s1+s0], $0x80, s30, s0, $0xb8;
	[tilespmem:$0x1E580] =	vst v63  }
0x75: {  	s0 =	sand.u32 $0x1, s2  }
0x76: {  	p2 =	seq.s32 s0, $0x0  }
0x77: {  	p3 =	seq.s32 s0, $0x1;
	s16 =	simm.s32 @!p2 $0x3  }
.Ltmp4:
0x78: {  	_ =	swait.ge @!p2 [sflag:s16], $0x2800;
	(pc) =	sbr.rel @p3 .LBB2_5-.Ltmp4, $4  }
0x79: {  	[sflag:s16] =	ssyncset.done @!p2 $0x0  }
0x7a: {  	s19 =	simm.s32 @!p2 $0x5000;
	[sflag:s16] =	ssyncadd.s32 @!p2 $0xFFFFD800;
	s16 =	simm.s32 @!p2 $0x50  }
0x7b: {  	[tilespmem:s19], [sflag:$0x1] =	stream.indirect.gather @!p2 [hbm4b:s1+s16], $0x80, s30, s16, $0xb8;
	[tilespmem:$0x1E580] =	vst v63  }
0x7c: {  	p2 =	sgt.u32 s2, $0x7A  }
0x7d: {  	_ =	swait.ge [sflag:s21], $0x2800  }
0x7e: {  	[sflag:s21] =	ssyncset.done $0x0  }
0x7f: {  	[sflag:s21] =	ssyncadd.s32 $0xFFFFD800  }
0x80: {  	v2 =	vld [tilespmem:s29+$0xFFFFFFE0];
	_ =	sdelay $0x4  }
0x81: {  	[tilespmem:$0x4F00] =	vst v2  }
0x82: {  	v2 =	vld [tilespmem:s29+$0xFFFFFFF0];
	_ =	sdelay $0x4  }
0x83: {  	[tilespmem:$0x4F10] =	vst v2  }
0x84: {  	v2 =	vld [tilespmem:s29+$0x0];
	_ =	sdelay $0x4  }
0x85: {  	[tilespmem:$0x4F20] =	vst v2  }
0x86: {  	v2 =	vld [tilespmem:s29+$0x10];
	_ =	sdelay $0x4  }
0x87: {  	[tilespmem:$0x4F30] =	vst v2  }
0x88: {  	v2 =	vld [tilespmem:s29+$0x20];
	_ =	sdelay $0x4  }
0x89: {  	s0 =	simm.s32 @p2 $0x50;
	s2 =	simm.s32 @p2 $0x4F00;
	s16 =	simm.s32 @p2 $0x5000;
	[tilespmem:$0x4F40] =	vst v2  }
0x8a: {  	[spmem:s3] =	stream.indirect.scatter.add.f32 @p2 [tilespmem:s16], [sflag:$0x6], $0x80, s2, s0, $0xb8;
	[tilespmem:$0x1E580] =	vst v63  }
.Ltmp5:
0x8b: {  	s0 =	simm.s32 @p2 $0x6;
	(pc) =	sbr.rel @p1 .LBB2_8-.Ltmp5, $4  }
0x8c: {  	_ =	swait.ge @p2 [sflag:s0], $0x2800  }
0x8d: {  	s2 =	simm.s32 @!p2 $0x4F00;
	[sflag:s0] =	ssyncset.done @p2 $0x0  }
0x8e: {  	s16 =	simm.s32 @!p2 $0x5000;
	[sflag:s0] =	ssyncadd.s32 @p2 $0xFFFFD800;
	s0 =	simm.s32 @!p2 $0x50  }
0x8f: {  	[spmem:s3] =	stream.indirect.scatter.add.f32 @!p2 [tilespmem:s16], [sflag:$0x3], $0x80, s2, s0, $0xb8;
	[tilespmem:$0x1E580] =	vst v63  }
.Ltmp6:
0x90: {  	(pc) =	sbr.rel .LBB2_7-.Ltmp6, $3  }
0x91: {  	_ =	sdelay $0x1  }
0x92: {  	[spmem:s4] =	stream.indirect.scatter.add.f32 [tilespmem:s24], [sflag:$0x6], $0x1, s23, s22, $0xb8;
	[tilespmem:$0x1E580] =	vst v63  }
0x93: {  	s2 =	simm.s32 $0x6  }
.LBB2_5:
0x94: {  	_ =	swait.ge [sflag:s25], $0x2800  }
0x95: {  	[sflag:s25] =	ssyncset.done $0x0  }
0x96: {  	[sflag:s25] =	ssyncadd.s32 $0xFFFFD800  }
0x97: {  	v2 =	vld [tilespmem:s29+$0xFFFFFFE0];
	_ =	sdelay $0x4  }
0x98: {  	[tilespmem:$0x4F80] =	vst v2  }
0x99: {  	v2 =	vld [tilespmem:s29+$0xFFFFFFF0];
	_ =	sdelay $0x4  }
0x9a: {  	[tilespmem:$0x4F90] =	vst v2  }
0x9b: {  	v2 =	vld [tilespmem:s29+$0x0];
	_ =	sdelay $0x4  }
0x9c: {  	[tilespmem:$0x4FA0] =	vst v2  }
0x9d: {  	v2 =	vld [tilespmem:s29+$0x10];
	_ =	sdelay $0x4  }
0x9e: {  	[tilespmem:$0x4FB0] =	vst v2  }
0x9f: {  	v2 =	vld [tilespmem:s29+$0x20];
	_ =	sdelay $0x4  }
0xa0: {  	s0 =	simm.s32 @p2 $0x50;
	s2 =	simm.s32 @p2 $0x4F80;
	s16 =	simm.s32 @p2 $0x7800;
	[tilespmem:$0x4FC0] =	vst v2  }
0xa1: {  	[spmem:s3] =	stream.indirect.scatter.add.f32 @p2 [tilespmem:s16], [sflag:$0x6], $0x80, s2, s0, $0xb8;
	[tilespmem:$0x1E580] =	vst v63  }
.Ltmp7:
0xa2: {  	s0 =	simm.s32 @p2 $0x6;
	(pc) =	sbr.rel @p1 .LBB2_8-.Ltmp7, $4  }
0xa3: {  	_ =	swait.ge @p2 [sflag:s0], $0x2800  }
0xa4: {  	s2 =	simm.s32 @!p2 $0x4F80;
	[sflag:s0] =	ssyncset.done @p2 $0x0  }
0xa5: {  	s16 =	simm.s32 @!p2 $0x7800;
	[sflag:s0] =	ssyncadd.s32 @p2 $0xFFFFD800;
	s0 =	simm.s32 @!p2 $0x50  }
0xa6: {  	[spmem:s3] =	stream.indirect.scatter.add.f32 @!p2 [tilespmem:s16], [sflag:$0x4], $0x80, s2, s0, $0xb8;
	[tilespmem:$0x1E580] =	vst v63  }
.Ltmp8:
0xa7: {  	(pc) =	sbr.rel .LBB2_7-.Ltmp8, $3  }
0xa8: {  	_ =	sdelay $0x1  }
0xa9: {  	[spmem:s4] =	stream.indirect.scatter.add.f32 [tilespmem:s24], [sflag:$0x5], $0x1, s26, s22, $0xb8;
	[tilespmem:$0x1E580] =	vst v63  }
0xaa: {  	s2 =	simm.s32 $0x5  }
.LBB2_10:
0xab: {  	_ =	sfence.sel $0x180000  }
0xac: {  	[bflag:$0x0] =	sbarrier.arrive $0xFFFF  }
0xad: {  	_ =	strace $0x90000047  }
0xae: {  	s0 =	stileid.u32;
	[bflag:$0x2] =	sbarrier.arrive $0xFFFF  }
0xaf: {  	p0 =	sne.s32 s0, $0x0;
	s0 =	rddreg [dreg:$0x4]  }
0xb0: {  	s0 =	sadd.s32 @!p0 $0x100000, s0  }
0xb1: {  	[sflag:s0] =	ssyncadd.tile.s32 @!p0 $0x1;
	_ =	shalt  }
.Lfunc_end2:
_tile_overlayer_lowered:
.L_overlay_start_2:
0xb2: {  	(tag) =	ssettag $0x2  }
0xb3: {  	s0 =	rddreg [dreg:$0x0];
	s2 =	stileid.u32  }
0xb4: {  	s1 =	rddreg [dreg:$0x1];
	p0 =	sne.s32 s2, $0x0  }
0xb5: {  	s3 =	rddreg [dreg:$0x2];
	[bflag:$0x3] =	sbarrier.arrive $0xFFFF;
	s2 =	simm.s32 @!p0 $0x1C05  }
0xb6: {  	[timem:s3], [sflag:s2] =	dma.local @!p0 [hbm:s0], s1  }
0xb7: {  	s0 =	simm.s32 @!p0 $0x5  }
0xb8: {  	_ =	swait.ge @!p0 [sflag:s0], s1  }
0xb9: {  	s1 =	ssub.s32 @!p0 $0x0, s1;
	[sflag:s0] =	ssyncset.done @!p0 $0x0  }
0xba: {  	[sflag:s0] =	ssyncadd.s32 @!p0 s1  }
0xbb: {  	[bflag:$0x3] =	sbarrier.arrive $0xFFFF  }
0xbc: {  	_ =	shalt  }

// kernel: kernel.9.cloned.1.call-start
scs
__scs_entry_jumppad:
0x0: {  	(pc) =	sbr.rel $0x88, $3  }
0x1: {  	(tag) =	ssettag $0x0;
	lr =	simm.s32 $0x1  }
0x2: {  	[smem:$0x3F9D] =	sst lr;
	_ =	strace $0xD0000000  }
0x3: {  	_ = 	snop  }
0x4: {  	_ = 	snop  }
0x5: {  	_ = 	snop  }
0x6: {  	_ = 	snop  }
0x7: {  	_ = 	snop  }
__scs_overlays_trampoline_lowered:
0x8: {  	[smem:$0x3FAC] =	sst s0  }
0x9: {  	[smem:$0x3FAD] =	sst s1  }
0xa: {  	[smem:$0x3FAE] =	sst s2  }
0xb: {  	[smem:$0x3FAF] =	sst s3  }
0xc: {  	[smem:$0x3FB0] =	sst s4  }
0xd: {  	[smem:$0x3FB1] =	sst s5  }
0xe: {  	[smem:$0x3FB2] =	sst s6  }
0xf: {  	[smem:$0x3FB3] =	sst s7  }
0x10: {  	[smem:$0x3FB4] =	sst s8  }
0x11: {  	[smem:$0x3FB5] =	sst s9;
	s0 =	simm.s32 @!p0 $0x0  }
0x12: {  	s1 =	sld [smem:$0x3F9B];
	s0 =	simm.s32 @p0 $0x1  }
0x13: {  	[smem:$0x3FB6] =	sst s0;
	s0 =	simm.s32 @!p1 $0x0  }
0x14: {  	s2 =	sld [smem:$0x3F9A];
	s0 =	simm.s32 @p1 $0x1  }
0x15: {  	[smem:$0x3FB7] =	sst s0;
	s0 =	simm.s32 @!p2 $0x0  }
0x16: {  	s3 =	sld [smem:$0x3FDB];
	s0 =	simm.s32 @p2 $0x1  }
0x17: {  	s4 =	simm.s32 $0x1BF5;
	[smem:$0x3FB9] =	sst s0  }
0x18: {  	s0 =	sld [smem:$0x3F9C];
	_ =	swait.ge [sflag:s4], $0x0  }
0x19: {  	s7 =	sld [smem:$0x3F9D]  }
0x1a: {  	s8 =	sadd.s32 $0xFFFFE003, lr  }
0x1b: {  	s9 =	sadd.s32 $0xFFFFFEF7, lr;
	s5 =	simm.s32 $0xFFFFFFFF;
	p2 =	slt.u32 s8, $0xFFFFF086  }
0x1c: {  	p1 =	slt.u32 s9, $0xF7A;
	s5 =	simm.s32 @!p2 $0x0  }
0x1d: {  	s5 =	simm.s32 @p1 $0x1;
	p0 =	seq.s32 s7, s2  }
0x1e: {  	s7 =	smul.u32 @!p0 $0xF7A, s2;
	p2 =	seq.s32 @!p0 s5, $0x0  }
0x1f: {  	s9 =	smul.u32 $0xF7A, s1;
	s8 =	simm.s32 @!p0 $0x1BF5;
	p2 =	por !p2, p0  }
0x20: {  	[sflag:s8] =	ssyncset.s32 @!p0 $0xFFFFF086;
	s6 =	sadd.s32 @!p0 s3, s7;
	s7 =	simm.s32 @!p0 $0x108  }
0x21: {  	s3 =	sadd.s32 s3, s9;
	s6 =	sadd.s32 @!p0 $0x88, s6;
	s7 =	simm.s32 @p2 $0x1082  }
0x22: {  	[simem:s7], [sflag:s8] =	dma.local @!p0 [hbm:s6], $0xF7A  }
0x23: {  	s9 =	sor.u32 $0xD0000000, s2;
	s6 =	simm.s32 $0x108;
	_ =	swait.ge @!p0 [sflag:s8], $0x0  }
0x24: {  	s3 =	sadd.s32 $0x88, s3;
	s6 =	simm.s32 @!p1 $0x1082;
	[sflag:s4] =	ssyncset.s32 $0xFFFFF086  }
0x25: {  	[simem:s6], [sflag:s4] =	dma.local [hbm:s3], $0xF7A  }
0x26: {  	[smem:$0x3F9D] =	sst s1;
	(tag) =	ssettag s2;
	_ =	strace s9  }
0x27: {  	s1 =	sld [smem:$0x3FAD]  }
0x28: {  	s2 =	sld [smem:$0x3FAE]  }
0x29: {  	s4 =	sld [smem:$0x3FB0]  }
0x2a: {  	p0 =	seq.s32 s5, $0x0;
	s5 =	sld [smem:$0x3FB1]  }
0x2b: {  	s6 =	sld [smem:$0x3FB2]  }
0x2c: {  	s7 =	sld [smem:$0x3FB3]  }
0x2d: {  	s3 =	simm.s32 $0x108;
	s8 =	sld [smem:$0x3FB4]  }
0x2e: {  	s3 =	simm.s32 @!p0 $0x1082;
	s9 =	sld [smem:$0x3FB5]  }
0x2f: {  	lr =	sadd.s32 s0, s3;
	s0 =	sld [smem:$0x3FAC]  }
0x30: {  	s3 =	sld [smem:$0x3FAF]  }
0x31: {  	[smem:$0x3FB8] =	sst s10  }
0x32: {  	s10 =	sld [smem:$0x3FB6];
	_ =	sdelay $0x3  }
0x33: {  	p0 =	seq.s32 s10, $0x1;
	s10 =	sld [smem:$0x3FB8];
	_ =	sdelay $0x3  }
0x34: {  	[smem:$0x3FB8] =	sst s10  }
0x35: {  	s10 =	sld [smem:$0x3FB7];
	_ =	sdelay $0x3  }
0x36: {  	p1 =	seq.s32 s10, $0x1;
	s10 =	sld [smem:$0x3FB8];
	_ =	sdelay $0x3  }
0x37: {  	[smem:$0x3FB8] =	sst s10  }
0x38: {  	s10 =	sld [smem:$0x3FB9]  }
0x39: {  	_ = 	snop;
	(pc) =	sbr.ind lr, $3  }
0x3a: {  	_ = 	snop  }
0x3b: {  	_ = 	snop  }
0x3c: {  	p2 =	seq.s32 s10, $0x1;
	s10 =	sld [smem:$0x3FB8]  }
0x3d: {  	_ =	shalt  }
0x3e: {  	_ =	shalt  }
0x3f: {  	_ =	shalt  }
0x40: {  	_ =	shalt  }
0x41: {  	_ =	shalt  }
0x42: {  	_ =	shalt  }
0x43: {  	_ =	shalt  }
0x44: {  	_ =	shalt  }
0x45: {  	_ =	shalt  }
0x46: {  	_ =	shalt  }
0x47: {  	_ =	shalt  }
0x48: {  	_ =	shalt  }
0x49: {  	_ =	shalt  }
0x4a: {  	_ =	shalt  }
0x4b: {  	_ =	shalt  }
0x4c: {  	_ =	shalt  }
0x4d: {  	_ =	shalt  }
0x4e: {  	_ =	shalt  }
0x4f: {  	_ =	shalt  }
0x50: {  	_ =	shalt  }
0x51: {  	_ =	shalt  }
0x52: {  	_ =	shalt  }
0x53: {  	_ =	shalt  }
0x54: {  	_ =	shalt  }
0x55: {  	_ =	shalt  }
0x56: {  	_ =	shalt  }
0x57: {  	_ =	shalt  }
0x58: {  	_ =	shalt  }
0x59: {  	_ =	shalt  }
0x5a: {  	_ =	shalt  }
0x5b: {  	_ =	shalt  }
0x5c: {  	_ =	shalt  }
0x5d: {  	_ =	shalt  }
0x5e: {  	_ =	shalt  }
0x5f: {  	_ =	shalt  }
0x60: {  	_ =	shalt  }
0x61: {  	_ =	shalt  }
0x62: {  	_ =	shalt  }
0x63: {  	_ =	shalt  }
0x64: {  	_ =	shalt  }
0x65: {  	_ =	shalt  }
0x66: {  	_ =	shalt  }
0x67: {  	_ =	shalt  }
0x68: {  	_ =	shalt  }
0x69: {  	_ =	shalt  }
0x6a: {  	_ =	shalt  }
0x6b: {  	_ =	shalt  }
0x6c: {  	_ =	shalt  }
0x6d: {  	_ =	shalt  }
0x6e: {  	_ =	shalt  }
0x6f: {  	_ =	shalt  }
0x70: {  	_ =	shalt  }
0x71: {  	_ =	shalt  }
0x72: {  	_ =	shalt  }
0x73: {  	_ =	shalt  }
0x74: {  	_ =	shalt  }
0x75: {  	_ =	shalt  }
0x76: {  	_ =	shalt  }
0x77: {  	_ =	shalt  }
0x78: {  	_ =	shalt  }
0x79: {  	_ =	shalt  }
0x7a: {  	_ =	shalt  }
0x7b: {  	_ =	shalt  }
0x7c: {  	_ =	shalt  }
0x7d: {  	_ =	shalt  }
0x7e: {  	_ =	shalt  }
0x7f: {  	_ =	shalt  }
0x80: {  	_ =	shalt  }
0x81: {  	_ =	shalt  }
0x82: {  	_ =	shalt  }
0x83: {  	_ =	shalt  }
0x84: {  	_ =	shalt  }
0x85: {  	_ =	shalt  }
0x86: {  	_ =	shalt  }
0x87: {  	_ =	shalt  }
.Lfunc_end0:
.L_simem_size_0:
called_computation.1_lowered:
.L_overlay_start_0:
0x88: {  	s2 =	sld [smem:$0x3FD9]  }
0x89: {  	s3 =	sld [smem:$0x3FFE];
	_ =	sdelay $0x1  }
0x8a: {  	s1 =	srdreg.scid  }
0x8b: {  	s0 =	sand.u32 $0x1, s1  }
0x8c: {  	s17 =	sshll.u32 s0, $0xA;
	s2 =	sadd.s32 s3, s2  }
0x8d: {  	s2 =	sadd.s32 s2, s17  }
0x8e: {  	[smem:$0x3FC4] =	sst s2  }
0x8f: {  	_ = 	snop  }
0x90: {  	s2 =	sld [smem:$0x3FD0];
	(tm) =	ssettm $0x1  }
0x91: {  	s18 =	sld [smem:$0x3FFB];
	_ =	sdelay $0x3  }
0x92: {  	_ =	strace s18  }
0x93: {  	s3 =	sld [smem:$0x3FFC];
	_ =	sdelay $0x3  }
0x94: {  	_ =	strace s3  }
0x95: {  	s3 =	sld [smem:$0x3FFD];
	_ =	sdelay $0x3  }
0x96: {  	_ =	strace s3  }
0x97: {  	_ =	strace $0x8FFFFFFF  }
0x98: {  	s19 =	sld [smem:$0x3FDB];
	_ =	sdelay $0x1  }
0x99: {  	s4 =	simm.s32 $_scs_section_size  }
0x9a: {  	s5 =	simm.s32 $_size__tile_overlayer_lowered;
	s6 =	simm.s32 $_tile_overlayer_lowered  }
0x9b: {  	s22 =	simm.s32 $0x1BFF;
	s21 =	sshll.u32 s6, $0x1;
	s3 =	sadd.s32 s4, s19  }
0x9c: {  	s7 =	simm.s32 $0x0;
	s20 =	sshll.u32 s5, $0x1;
	s5 =	sadd.s32 s21, s3  }
0x9d: {  	[timem:s7], [sflag:s22] =	dma.local [hbm:s5], s20  }
0x9e: {  	_ =	swait.ge [sflag:s22], s20  }
0x9f: {  	s4 =	ssub.s32 $0x0, s20;
	[sflag:s22] =	ssyncset.done $0x0  }
0xa0: {  	[sflag:s22] =	ssyncadd.s32 s4;
	_ =	sdelay $0x1  }
0xa1: {  	s23 =	simm.s32 $0x1B8B  }
0xa2: {  	_ =	swait.ge [sflag:s23], $0x1  }
0xa3: {  	[sflag:s23] =	ssyncset.done $0x0  }
0xa4: {  	s25 =	simm.s32 $0x1B8E;
	s24 =	sld [smem:$0x3FFE];
	[sflag:s23] =	ssyncadd.s32 $0xFFFFFFFF  }
0xa5: {  	s26 =	simm.s32 $execute0_lowered;
	[smem:$0x3FD2] =	sst s25  }
0xa6: {  	s5 =	sshll.u32 s26, $0x1;
	_ =	strace $0x80000049;
	[dreg:$0x1] =	wrdreg $0xFFFFFFFF  }
0xa7: {  	s28 =	simm.s32 $_size_execute0_lowered;
	s3 =	sadd.s32 s3, s5;
	[dreg:$0x0] =	wrdreg $0x0  }
0xa8: {  	s5 =	sshll.u32 s28, $0x1;
	[dreg:$0x2] =	wrdreg s3  }
0xa9: {  	[dreg:$0x3] =	wrdreg s5  }
0xaa: {  	[dreg:$0x4] =	wrdreg $0xC0  }
0xab: {  	_ =	task [dreg:s7], $0x5FFFF  }
0xac: {  	[dreg:$0x1] =	wrdreg $0xFFFFFFFF  }
0xad: {  	[dreg:$0x0] =	wrdreg $0x60  }
0xae: {  	[dreg:$0x2] =	wrdreg s24  }
0xaf: {  	[dreg:$0x3] =	wrdreg s2  }
0xb0: {  	[dreg:$0x4] =	wrdreg $0xA3000  }
0xb1: {  	[dreg:$0x5] =	wrdreg $0x1E3000  }
0xb2: {  	[dreg:$0x6] =	wrdreg $0x9  }
0xb3: {  	_ =	task.clear_ibuf [dreg:s7], $0x7FFFF;
	_ =	strace $0x90000049  }
0xb4: {  	s29 =	simm.s32 $0x9;
	_ =	strace $0x8000004B  }
0xb5: {  	_ =	swait.ge [sflag:s29], $0x1  }
0xb6: {  	[sflag:s29] =	ssyncadd.s32 $0xFFFFFFFF  }
0xb7: {  	_ =	strace $0x9000004B  }
0xb8: {  	_ =	sfence  }
0xb9: {  	s30 =	sld [smem:$0x0];
	_ =	sdelay $0x2  }
0xba: {  	s31 =	sshll.u32 s1, $0xD;
	s1 =	sshrl.u32 s1, $0x2  }
0xbb: {  	s3 =	sand.u32 $0x4000, s31;
	s1 =	sadd.s32 s1, s30  }
0xbc: {  	s0 =	sor.u32 s3, s0;
	s1 =	sshll.u32 s1, $0x11  }
0xbd: {  	s0 =	sor.u32 s1, s0  }
0xbe: {  	s0 =	sadd.s32 $0x8F2B, s0  }
0xbf: {  	[sflag:s0] =	ssyncadd.remote.s32 $0x1  }
0xc0: {  	_ =	sfence.sel $0xFFFF  }
0xc1: {  	[dreg:$0x0] =	wrdreg $0xFFFFFFFF;
	(pc) =	sbr.abs _section_cstart, $3  }
0xc2: {  	[dreg:$0x1] =	wrdreg $0xFFFFFFFF  }
0xc3: {  	_ =	task.clear_ibuf [dreg:s7], $0x2FFFF;
	_ =	strace $0x9FFFFFFF  }
0xc4: {  	(tm) =	ssettm $0x7FFFFFFF  }
0xc5: {  	_ =	shalt  }
tec
execute0_lowered:
.L_overlay_start_1:
0x0: {  	(tag) =	ssettag $0x1  }
0x1: {  	s0 =	rddreg [dreg:$0x0]  }
0x2: {  	s1 =	rddreg [dreg:$0x1];
	s3 =	srdreg.scid  }
0x3: {  	s16 =	stileid.u32;
	s2 =	rddreg [dreg:$0x2]  }
0x4: {  	s9 =	rddreg [dreg:$0x3];
	s19 =	simm.s32 $0x50;
	s20 =	simm.s32 $0x5000  }
0x5: {  	s22 =	simm.s32 $0x1;
	s23 =	simm.s32 $0x4F00;
	s5 =	smul.u32 $0x2710, s16  }
0x6: {  	s24 =	simm.s32 $0x6;
	s25 =	simm.s32 $0x0;
	s11 =	smul.u32 $0x280, s16  }
0x7: {  	s10 =	sand.u32 $0x1, s3;
	s3 =	simm.s32 $0x0;
	s12 =	smul.u32 $0x2800, s16  }
0x8: {  	s26 =	sadd.s32 $0x10200, s0;
	s14 =	smul.u32 $0x50000, s16;
	s31 =	sshll.u32 s16, $0x6  }
0x9: {  	s4 =	smul.u32 $0x27100, s10;
	[smem:$0x7FF] =	sst s3;
	s13 =	ssub.s32 $0x2, s10  }
0xa: {  	p0 =	seq.s32 s10, $0x1;
	s16 =	sor.u32 $0x1C05, s31;
	_ =	strace $0x8000004A  }
0xb: {  	[dreg:$0x5] =	wrdreg s26;
	s8 =	sshrl.u32 s11, $0x3;
	s15 =	sadd.s32 s12, s0  }
0xc: {  	s28 =	sshrl.u32 s13, $0x1;
	s30 =	sshrl.u32 s14, $0x2;
	s9 =	sadd.s32 s11, s9  }
0xd: {  	s10 =	sadd.s32 s1, s12;
	s14 =	simm.s32 $0x5;
	s6 =	sadd.s32 s5, s4  }
0xe: {  	s4 =	sadd.s32 $0x12A00, s0;
	s5 =	sshrl.u32 s5, $0x3;
	s13 =	ssub.s32 s13, s28  }
0xf: {  	s12 =	sadd.s32 $0x61200, s15;
	s6 =	sshrl.u32 s6, $0x3;
	s7 =	sadd.s32 s5, s0  }
0x10: {  	s13 =	smax.u32 s13, $0x1;
	s6 =	sadd.s32 s6, s0;
	s0 =	sadd.s32 s8, s0  }
0x11: {  	s7 =	sadd.s32 $0x1400, s7;
	s8 =	sadd.s32 s30, s2;
	s29 =	sadd.s32 $0x6400, s6  }
0x12: {  	v0 =	vimm.f32 $0.0e+00;
	v1 =	vimm.f32 $1.000000000e+00;
	s11 =	sadd.s32 $0x60C00, s0;
	s17 =	sshrl.u32 s8, $0x3;
	[dreg:$0x6] =	wrdreg s29  }
.LBB2_1:
0x13: {  	s0 =	rddreg [dreg:$0x6]  }
0x14: {  	[tilespmem:s3], [sflag:$0x5] =	stream.linear.gather [hbm4b:s0+s3], $0x2710, $0x38;
	[tilespmem:$0x1E580] =	vst v63  }
0x15: {  	_ =	swait.ge [sflag:s14], $0x2710  }
0x16: {  	[sflag:s14] =	ssyncset.done $0x0  }
0x17: {  	s6 =	simm.s32 $0x2780;
	[sflag:s14] =	ssyncadd.s32 $0xFFFFD8F0  }
0x18: {  	[tilespmem:s6], [sflag:$0x5] =	stream.linear.gather [hbm4b:s7+s3], $0x2710, $0x38;
	[tilespmem:$0x1E580] =	vst v63  }
0x19: {  	_ =	swait.ge [sflag:s14], $0x2710  }
0x1a: {  	[sflag:s14] =	ssyncset.done $0x0  }
0x1b: {  	[sflag:s14] =	ssyncadd.s32 $0xFFFFD8F0  }
0x1c: {  	[tilespmem:$0xA080] =	vst v0  }
0x1d: {  	[tilespmem:$0xA090] =	vst v0  }
0x1e: {  	[tilespmem:$0xA0A0] =	vst v0  }
0x1f: {  	[tilespmem:$0xA0B0] =	vst v0  }
0x20: {  	[tilespmem:$0xA0C0] =	vst v0  }
0x21: {  	[tilespmem:$0xA0D0] =	vst v0  }
0x22: {  	[tilespmem:$0xA0E0] =	vst v0  }
0x23: {  	[tilespmem:$0xA0F0] =	vst v0  }
0x24: {  	[tilespmem:$0xA100] =	vst v0  }
0x25: {  	[tilespmem:$0xA110] =	vst v0  }
0x26: {  	[tilespmem:$0xA120] =	vst v0  }
0x27: {  	[tilespmem:$0xA130] =	vst v0  }
0x28: {  	[tilespmem:$0xA140] =	vst v0  }
0x29: {  	[tilespmem:$0xA150] =	vst v0  }
0x2a: {  	[tilespmem:$0xA160] =	vst v0  }
0x2b: {  	[tilespmem:$0xA170] =	vst v0  }
0x2c: {  	[tilespmem:$0xA180] =	vst v0  }
0x2d: {  	[tilespmem:$0xA190] =	vst v0  }
0x2e: {  	[tilespmem:$0xA1A0] =	vst v0  }
0x2f: {  	[tilespmem:$0xA1B0] =	vst v0  }
0x30: {  	[tilespmem:$0xA1C0] =	vst v0  }
0x31: {  	[tilespmem:$0xA1D0] =	vst v0  }
0x32: {  	[tilespmem:$0xA1E0] =	vst v0  }
0x33: {  	[tilespmem:$0xA1F0] =	vst v0  }
0x34: {  	[tilespmem:$0xA200] =	vst v0  }
0x35: {  	[tilespmem:$0xA210] =	vst v0  }
0x36: {  	[tilespmem:$0xA220] =	vst v0  }
0x37: {  	[tilespmem:$0xA230] =	vst v0  }
0x38: {  	[tilespmem:$0xA240] =	vst v0  }
0x39: {  	[tilespmem:$0xA250] =	vst v0  }
0x3a: {  	[tilespmem:$0xA260] =	vst v0  }
0x3b: {  	[tilespmem:$0xA270] =	vst v0  }
0x3c: {  	[tilespmem:$0xA280] =	vst v0  }
0x3d: {  	[tilespmem:$0xA290] =	vst v0  }
0x3e: {  	[tilespmem:$0xA2A0] =	vst v0  }
0x3f: {  	[tilespmem:$0xA2B0] =	vst v0  }
0x40: {  	[tilespmem:$0xA2C0] =	vst v0  }
0x41: {  	[tilespmem:$0xA2D0] =	vst v0  }
0x42: {  	[tilespmem:$0xA2E0] =	vst v0  }
0x43: {  	[tilespmem:$0xA2F0] =	vst v0  }
0x44: {  	[tilespmem:$0xA000] =	vst v1  }
0x45: {  	[tilespmem:$0xA010] =	vst v1  }
0x46: {  	[tilespmem:$0xA020] =	vst v1  }
0x47: {  	[tilespmem:$0xA030] =	vst v1  }
0x48: {  	s15 =	rddreg [dreg:$0x5];
	[tilespmem:$0xA040] =	vst v1  }
0x49: {  	[spmem:s17], [sflag:s16] =	dma.local [hbm:s15], $0x2800  }
0x4a: {  	_ =	swait.ge [sflag:s14], $0x2800  }
0x4b: {  	[sflag:s14] =	ssyncset.done $0x0  }
0x4c: {  	s18 =	simm.s32 $0xA080;
	[sflag:s14] =	ssyncadd.s32 $0xFFFFD800  }
0x4d: {  	[spmem:s9] =	stream.linear.scatter [tilespmem:s18], [sflag:$0x5], $0x280, $0x38;
	[tilespmem:$0x1E580] =	vst v63  }
0x4e: {  	_ =	swait.ge [sflag:s14], $0x280  }
0x4f: {  	[sflag:s14] =	ssyncset.done $0x0  }
0x50: {  	[sflag:s14] =	ssyncadd.s32 $0xFFFFFD80  }
0x51: {  	[bflag:$0x0] =	sbarrier.arrive $0xFFFF  }
0x52: {  	[tilespmem:s20], [sflag:$0x1] =	stream.indirect.gather [hbm4b:s4+s19], $0x80, s3, s19, $0xb8;
	[tilespmem:$0x1E580] =	vst v63  }
0x53: {  	s21 =	simm.s32 $0x7800  }
0x54: {  	[tilespmem:s21], [sflag:$0x2] =	stream.indirect.gather [hbm4b:s4+s19], $0x80, s19, s19, $0xb8;
	[tilespmem:$0x1E580] =	vst v63  }
0x55: {  	_ =	swait.ge [sflag:s22], $0x2800  }
0x56: {  	[sflag:s22] =	ssyncset.done $0x0  }
0x57: {  	[sflag:s22] =	ssyncadd.s32 $0xFFFFD800  }
0x58: {  	v2 =	vld [tilespmem:$0x2780]  }
0x59: {  	v3 =	vld [tilespmem:$0x2790]  }
0x5a: {  	v4 =	vld [tilespmem:$0x27A0]  }
0x5b: {  	v5 =	vld [tilespmem:$0x27B0]  }
0x5c: {  	v6 =	vld [tilespmem:$0x27C0]  }
0x5d: {  	[tilespmem:$0x4F00] =	vst v2  }
0x5e: {  	s26 =	simm.s32 $0x2;
	[tilespmem:$0x4F10] =	vst v3  }
0x5f: {  	s0 =	sand.u32 $0x1, s26;
	[tilespmem:$0x4F20] =	vst v4  }
0x60: {  	s1 =	simm.s32 $0x1;
	p1 =	seq.s32 s0, $0x0;
	[tilespmem:$0x4F30] =	vst v5  }
0x61: {  	s1 =	sand.u32 $0x1, s1;
	s0 =	simm.s32 @!p1 $0x4;
	[tilespmem:$0x4F40] =	vst v6  }
0x62: {  	[spmem:s2] =	stream.indirect.scatter.add.f32 [tilespmem:s20], [sflag:$0x3], $0x80, s23, s19, $0xb8;
	[tilespmem:$0x1E580] =	vst v63  }
0x63: {  	p2 =	seq.s32 s1, $0x0;
	_ =	swait.ge @!p1 [sflag:s0], $0x2800  }
0x64: {  	s26 =	simm.s32 @!p1 $0x7800;
	s28 =	simm.s32 @!p1 $0x50;
	[sflag:s0] =	ssyncset.done @!p1 $0x0  }
0x65: {  	s15 =	simm.s32 $0xA0;
	[sflag:s0] =	ssyncadd.s32 @!p1 $0xFFFFD800;
	s0 =	simm.s32 @!p2 $0x3  }
0x66: {  	[tilespmem:s26], [sflag:$0x2] =	stream.indirect.gather @!p1 [hbm4b:s4+s28], $0x80, s15, s28, $0xb8;
	[tilespmem:$0x1E580] =	vst v63  }
0x67: {  	_ =	swait.ge @!p2 [sflag:s0], $0x2800  }
0x68: {  	p1 =	seq.s32 s1, $0x1;
	s1 =	simm.s32 @!p2 $0x50;
	[sflag:s0] =	ssyncset.done @!p2 $0x0  }
0x69: {  	s26 =	simm.s32 @!p2 $0x5000;
	[sflag:s0] =	ssyncadd.s32 @!p2 $0xFFFFD800;
	s0 =	simm.s32 @p1 $0x2  }
0x6a: {  	[tilespmem:s26], [sflag:$0x1] =	stream.indirect.gather @!p2 [hbm4b:s4+s1], $0x80, s15, s1, $0xb8;
	[tilespmem:$0x1E580] =	vst v63  }
0x6b: {  	_ =	swait.ge @p1 [sflag:s0], $0x2800  }
0x6c: {  	[sflag:s0] =	ssyncset.done @p1 $0x0  }
0x6d: {  	s1 =	simm.s32 $0x2810;
	[sflag:s0] =	ssyncadd.s32 @p1 $0xFFFFD800  }
0x6e: {  	v2 =	vld @p1 [tilespmem:s1+$0xFFFFFFC0];
	_ =	sdelay $0x4  }
0x6f: {  	[tilespmem:$0x4F80] =	vst @p1 v2  }
0x70: {  	v2 =	vld @p1 [tilespmem:s1+$0xFFFFFFD0];
	_ =	sdelay $0x4  }
0x71: {  	[tilespmem:$0x4F90] =	vst @p1 v2  }
0x72: {  	v2 =	vld @p1 [tilespmem:s1+$0xFFFFFFE0];
	_ =	sdelay $0x4  }
0x73: {  	[tilespmem:$0x4FA0] =	vst @p1 v2  }
0x74: {  	v2 =	vld @p1 [tilespmem:s1+$0xFFFFFFF0];
	_ =	sdelay $0x4  }
0x75: {  	[tilespmem:$0x4FB0] =	vst @p1 v2  }
0x76: {  	v2 =	vld @p1 [tilespmem:s1+$0x0];
	_ =	sdelay $0x1  }
0x77: {  	p2 =	por @p1 $0x0, $0x0  }
0x78: {  	p3 =	por !p2, !p1  }
0x79: {  	s15 =	simm.s32 @!p3 $0x4F80  }
0x7a: {  	s26 =	simm.s32 @!p3 $0x7800;
	s28 =	simm.s32 @!p3 $0x5;
	s0 =	simm.s32 @!p3 $0x50;
	[tilespmem:$0x4FC0] =	vst @p1 v2  }
0x7b: {  	[spmem:s2] =	stream.indirect.scatter.add.f32 @!p3 [tilespmem:s26], [sflag:$0x5], $0x80, s15, s0, $0xb8;
	[tilespmem:$0x1E580] =	vst v63  }
0x7c: {  	p2 =	por p2, !p1;
	_ =	swait.ge @!p3 [sflag:s28], $0x2800  }
0x7d: {  	s0 =	simm.s32 @!p2 $0x7800;
	s15 =	simm.s32 @!p2 $0x50;
	[sflag:s28] =	ssyncset.done @!p3 $0x0  }
0x7e: {  	s26 =	simm.s32 @!p2 $0x4F80;
	[sflag:s28] =	ssyncadd.s32 @!p3 $0xFFFFD800;
	s28 =	simm.s32 @!p1 $0x1  }
0x7f: {  	[spmem:s2] =	stream.indirect.scatter.add.f32 @!p2 [tilespmem:s0], [sflag:$0x4], $0x80, s26, s15, $0xb8;
	[tilespmem:$0x1E580] =	vst v63  }
0x80: {  	_ =	swait.ge @!p1 [sflag:s28], $0x2800  }
0x81: {  	[sflag:s28] =	ssyncset.done @!p1 $0x0  }
0x82: {  	[sflag:s28] =	ssyncadd.s32 @!p1 $0xFFFFD800  }
0x83: {  	v2 =	vld @!p1 [tilespmem:s1+$0xFFFFFFC0];
	_ =	sdelay $0x4  }
0x84: {  	[tilespmem:$0x4F00] =	vst @!p1 v2  }
0x85: {  	v2 =	vld @!p1 [tilespmem:s1+$0xFFFFFFD0];
	_ =	sdelay $0x4  }
0x86: {  	[tilespmem:$0x4F10] =	vst @!p1 v2  }
0x87: {  	v2 =	vld @!p1 [tilespmem:s1+$0xFFFFFFE0];
	_ =	sdelay $0x4  }
0x88: {  	[tilespmem:$0x4F20] =	vst @!p1 v2  }
0x89: {  	v2 =	vld @!p1 [tilespmem:s1+$0xFFFFFFF0];
	_ =	sdelay $0x4  }
0x8a: {  	[tilespmem:$0x4F30] =	vst @!p1 v2  }
0x8b: {  	v2 =	vld @!p1 [tilespmem:s1+$0x0];
	_ =	sdelay $0x1  }
0x8c: {  	s30 =	simm.s32 $0x3;
	p3 =	por @!p1 $0x0, $0x0  }
0x8d: {  	s29 =	simm.s32 $0x4;
	p2 =	por p3, p1;
	p4 =	por !p3, p1  }
0x8e: {  	s31 =	simm.s32 @!p2 $0x50;
	s0 =	simm.s32 @!p2 $0x5000;
	s15 =	simm.s32 @!p4 $0x50  }
0x8f: {  	s26 =	simm.s32 @!p4 $0x4F00;
	s28 =	simm.s32 @!p4 $0x5000;
	s1 =	simm.s32 @!p2 $0x4F00;
	[tilespmem:$0x4F40] =	vst @!p1 v2  }
0x90: {  	[spmem:s2] =	stream.indirect.scatter.add.f32 @!p4 [tilespmem:s28], [sflag:$0x6], $0x80, s26, s15, $0xb8;
	[tilespmem:$0x1E580] =	vst v63  }
0x91: {  	s28 =	sand.u32 $0x1, s30;
	s15 =	simm.s32 @!p4 $0x6;
	s26 =	simm.s32 $0x2860  }
0x92: {  	p3 =	seq.s32 s28, $0x0;
	_ =	swait.ge @!p4 [sflag:s15], $0x2800;
	s28 =	simm.s32 $0xF0  }
.LBB2_2:
0x93: {  	s18 =	simm.s32 @!p3 $0x4  }
0x94: {  	[sflag:s15] =	ssyncset.done @!p4 $0x0;
	s21 =	smov.u32 s29;
	s29 =	sadd.s32 $0x1, s29  }
0x95: {  	s5 =	sadd.s32 $0xFFFFFFFF, s30;
	p1 =	sne.s32 s29, $0x7D;
	[sflag:s15] =	ssyncadd.s32 @!p4 $0xFFFFD800  }
0x96: {  	[spmem:s2] =	stream.indirect.scatter.add.f32 @!p2 [tilespmem:s0], [sflag:$0x3], $0x80, s1, s31, $0xb8;
	[tilespmem:$0x1E580] =	vst v63  }
0x97: {  	s0 =	simm.s32 @!p3 $0x7800;
	s1 =	sand.u32 $0x1, s5;
	_ =	swait.ge @!p3 [sflag:s18], $0x2800  }
0x98: {  	s15 =	simm.s32 @!p3 $0x50;
	p2 =	seq.s32 s1, $0x0;
	[sflag:s18] =	ssyncset.done @!p3 $0x0  }
0x99: {  	s30 =	smov.u32 s21;
	[sflag:s18] =	ssyncadd.s32 @!p3 $0xFFFFD800;
	s18 =	simm.s32 @!p2 $0x3  }
0x9a: {  	[tilespmem:s0], [sflag:$0x2] =	stream.indirect.gather @!p3 [hbm4b:s4+s15], $0x80, s28, s15, $0xb8;
	[tilespmem:$0x1E580] =	vst v63  }
0x9b: {  	p3 =	seq.s32 s1, $0x1;
	_ =	swait.ge @!p2 [sflag:s18], $0x2800  }
0x9c: {  	s0 =	simm.s32 @!p2 $0x50;
	s1 =	simm.s32 @!p2 $0x5000;
	[sflag:s18] =	ssyncset.done @!p2 $0x0  }
0x9d: {  	p6 =	sgt.u32 @p3 s5, $0x7A;
	s15 =	simm.s32 @p3 $0x2;
	[sflag:s18] =	ssyncadd.s32 @!p2 $0xFFFFD800  }
0x9e: {  	[tilespmem:s1], [sflag:$0x1] =	stream.indirect.gather @!p2 [hbm4b:s4+s0], $0x80, s28, s0, $0xb8;
	[tilespmem:$0x1E580] =	vst v63  }
0x9f: {  	p4 =	sgt.u32 @!p3 s5, $0x7A;
	p5 =	por p6, !p3;
	_ =	swait.ge @p3 [sflag:s15], $0x2800  }
0xa0: {  	p2 =	por p4, p3;
	[sflag:s15] =	ssyncset.done @p3 $0x0  }
0xa1: {  	s31 =	simm.s32 @!p2 $0x50;
	s1 =	simm.s32 @!p2 $0x4F00;
	[sflag:s15] =	ssyncadd.s32 @p3 $0xFFFFD800  }
0xa2: {  	s0 =	simm.s32 @!p2 $0x5000;
	v2 =	vld @p3 [tilespmem:s26+$0xFFFFFFC0];
	_ =	sdelay $0x4  }
0xa3: {  	[tilespmem:$0x4F80] =	vst @p3 v2  }
0xa4: {  	v2 =	vld @p3 [tilespmem:s26+$0xFFFFFFD0];
	_ =	sdelay $0x4  }
0xa5: {  	[tilespmem:$0x4F90] =	vst @p3 v2  }
0xa6: {  	v2 =	vld @p3 [tilespmem:s26+$0xFFFFFFE0];
	_ =	sdelay $0x4  }
0xa7: {  	[tilespmem:$0x4FA0] =	vst @p3 v2  }
0xa8: {  	v2 =	vld @p3 [tilespmem:s26+$0xFFFFFFF0];
	_ =	sdelay $0x4  }
0xa9: {  	[tilespmem:$0x4FB0] =	vst @p3 v2  }
0xaa: {  	v2 =	vld @p3 [tilespmem:s26+$0x0];
	_ =	sdelay $0x2  }
0xab: {  	p6 =	por !p6, !p3  }
0xac: {  	s5 =	simm.s32 @!p6 $0x50;
	s18 =	simm.s32 @!p6 $0x7800;
	s15 =	simm.s32 @!p6 $0x4F80  }
0xad: {  	s21 =	simm.s32 @!p6 $0x5;
	[tilespmem:$0x4FC0] =	vst @p3 v2  }
0xae: {  	[spmem:s2] =	stream.indirect.scatter.add.f32 @!p6 [tilespmem:s18], [sflag:$0x5], $0x80, s15, s5, $0xb8;
	[tilespmem:$0x1E580] =	vst v63  }
0xaf: {  	s5 =	simm.s32 @!p5 $0x7800;
	_ =	swait.ge @!p6 [sflag:s21], $0x2800  }
0xb0: {  	s15 =	simm.s32 @!p5 $0x50;
	s18 =	simm.s32 @!p5 $0x4F80;
	[sflag:s21] =	ssyncset.done @!p6 $0x0  }
0xb1: {  	[sflag:s21] =	ssyncadd.s32 @!p6 $0xFFFFD800;
	s21 =	simm.s32 @!p3 $0x1  }
0xb2: {  	[spmem:s2] =	stream.indirect.scatter.add.f32 @!p5 [tilespmem:s5], [sflag:$0x4], $0x80, s18, s15, $0xb8;
	[tilespmem:$0x1E580] =	vst v63  }
0xb3: {  	_ =	swait.ge @!p3 [sflag:s21], $0x2800  }
0xb4: {  	[sflag:s21] =	ssyncset.done @!p3 $0x0  }
0xb5: {  	[sflag:s21] =	ssyncadd.s32 @!p3 $0xFFFFD800  }
0xb6: {  	v2 =	vld @!p3 [tilespmem:s26+$0xFFFFFFC0];
	_ =	sdelay $0x4  }
0xb7: {  	[tilespmem:$0x4F00] =	vst @!p3 v2  }
0xb8: {  	v2 =	vld @!p3 [tilespmem:s26+$0xFFFFFFD0];
	_ =	sdelay $0x4  }
0xb9: {  	[tilespmem:$0x4F10] =	vst @!p3 v2  }
0xba: {  	v2 =	vld @!p3 [tilespmem:s26+$0xFFFFFFE0];
	_ =	sdelay $0x4  }
0xbb: {  	[tilespmem:$0x4F20] =	vst @!p3 v2  }
0xbc: {  	v2 =	vld @!p3 [tilespmem:s26+$0xFFFFFFF0];
	_ =	sdelay $0x4  }
0xbd: {  	[tilespmem:$0x4F30] =	vst @!p3 v2  }
0xbe: {  	v2 =	vld @!p3 [tilespmem:s26+$0x0];
	_ =	sdelay $0x2  }
.Ltmp0:
0xbf: {  	p4 =	por !p4, p3;
	(pc) =	sbr.rel @p1 .LBB2_2-.Ltmp0, $4  }
0xc0: {  	s5 =	simm.s32 @!p4 $0x50;
	s18 =	simm.s32 @!p4 $0x4F00;
	s21 =	simm.s32 @!p4 $0x5000  }
0xc1: {  	s6 =	sand.u32 $0x1, s30;
	s15 =	simm.s32 @!p4 $0x6;
	s26 =	sadd.s32 $0x50, s26;
	[tilespmem:$0x4F40] =	vst @!p3 v2  }
0xc2: {  	[spmem:s2] =	stream.indirect.scatter.add.f32 @!p4 [tilespmem:s21], [sflag:$0x6], $0x80, s18, s5, $0xb8;
	[tilespmem:$0x1E580] =	vst v63  }
0xc3: {  	s28 =	sadd.s32 $0x50, s28;
	p3 =	seq.s32 s6, $0x0;
	_ =	swait.ge @!p4 [sflag:s15], $0x2800  }
0xc4: {  	[sflag:s15] =	ssyncset.done @!p4 $0x0  }
0xc5: {  	s5 =	simm.s32 @!p3 $0x4;
	s6 =	sadd.s32 $0xFFFFFFFF, s30;
	[sflag:s15] =	ssyncadd.s32 @!p4 $0xFFFFD800  }
0xc6: {  	[spmem:s2] =	stream.indirect.scatter.add.f32 @!p2 [tilespmem:s0], [sflag:$0x3], $0x80, s1, s31, $0xb8;
	[tilespmem:$0x1E580] =	vst v63  }
0xc7: {  	s31 =	sand.u32 $0x1, s6;
	_ =	swait.ge @!p3 [sflag:s5], $0x2800  }
0xc8: {  	s15 =	simm.s32 @!p3 $0x50;
	p2 =	seq.s32 s31, $0x0;
	[sflag:s5] =	ssyncset.done @!p3 $0x0  }
0xc9: {  	s1 =	simm.s32 @!p3 $0x7800;
	[sflag:s5] =	ssyncadd.s32 @!p3 $0xFFFFD800;
	s5 =	simm.s32 @!p2 $0x3  }
0xca: {  	[tilespmem:s1], [sflag:$0x2] =	stream.indirect.gather @!p3 [hbm4b:s4+s15], $0x80, s28, s15, $0xb8;
	[tilespmem:$0x1E580] =	vst v63  }
0xcb: {  	_ =	swait.ge @!p2 [sflag:s5], $0x2800  }
0xcc: {  	p1 =	seq.s32 s31, $0x1;
	s0 =	simm.s32 @!p2 $0x50;
	[sflag:s5] =	ssyncset.done @!p2 $0x0  }
0xcd: {  	s1 =	simm.s32 @!p2 $0x5000;
	[sflag:s5] =	ssyncadd.s32 @!p2 $0xFFFFD800;
	s5 =	simm.s32 @p1 $0x2  }
0xce: {  	[tilespmem:s1], [sflag:$0x1] =	stream.indirect.gather @!p2 [hbm4b:s4+s0], $0x80, s28, s0, $0xb8;
	[tilespmem:$0x1E580] =	vst v63  }
0xcf: {  	_ =	swait.ge @p1 [sflag:s5], $0x2800  }
0xd0: {  	[sflag:s5] =	ssyncset.done @p1 $0x0  }
0xd1: {  	[sflag:s5] =	ssyncadd.s32 @p1 $0xFFFFD800  }
0xd2: {  	v2 =	vld @p1 [tilespmem:s26+$0xFFFFFFC0];
	_ =	sdelay $0x4  }
0xd3: {  	[tilespmem:$0x4F80] =	vst @p1 v2  }
0xd4: {  	v2 =	vld @p1 [tilespmem:s26+$0xFFFFFFD0];
	_ =	sdelay $0x4  }
0xd5: {  	[tilespmem:$0x4F90] =	vst @p1 v2  }
0xd6: {  	v2 =	vld @p1 [tilespmem:s26+$0xFFFFFFE0];
	_ =	sdelay $0x4  }
0xd7: {  	[tilespmem:$0x4FA0] =	vst @p1 v2  }
0xd8: {  	v2 =	vld @p1 [tilespmem:s26+$0xFFFFFFF0];
	_ =	sdelay $0x4  }
0xd9: {  	[tilespmem:$0x4FB0] =	vst @p1 v2  }
0xda: {  	v2 =	vld @p1 [tilespmem:s26+$0x0];
	_ =	sdelay $0x1  }
0xdb: {  	p2 =	sgt.u32 @p1 s6, $0x7A  }
0xdc: {  	p3 =	por !p2, !p1  }
0xdd: {  	s0 =	simm.s32 @!p3 $0x50  }
0xde: {  	s1 =	simm.s32 @!p3 $0x4F80;
	s15 =	simm.s32 @!p3 $0x5;
	s5 =	simm.s32 @!p3 $0x7800;
	[tilespmem:$0x4FC0] =	vst @p1 v2  }
0xdf: {  	[spmem:s2] =	stream.indirect.scatter.add.f32 @!p3 [tilespmem:s5], [sflag:$0x5], $0x80, s1, s0, $0xb8;
	[tilespmem:$0x1E580] =	vst v63  }
0xe0: {  	p2 =	por p2, !p1;
	_ =	swait.ge @!p3 [sflag:s15], $0x2800  }
0xe1: {  	s0 =	simm.s32 @!p2 $0x7800;
	s1 =	simm.s32 @!p2 $0x50;
	[sflag:s15] =	ssyncset.done @!p3 $0x0  }
0xe2: {  	s5 =	simm.s32 @!p2 $0x4F80;
	[sflag:s15] =	ssyncadd.s32 @!p3 $0xFFFFD800;
	s15 =	simm.s32 @!p1 $0x1  }
0xe3: {  	[spmem:s2] =	stream.indirect.scatter.add.f32 @!p2 [tilespmem:s0], [sflag:$0x4], $0x80, s5, s1, $0xb8;
	[tilespmem:$0x1E580] =	vst v63  }
0xe4: {  	_ =	swait.ge @!p1 [sflag:s15], $0x2800  }
0xe5: {  	[sflag:s15] =	ssyncset.done @!p1 $0x0  }
0xe6: {  	[sflag:s15] =	ssyncadd.s32 @!p1 $0xFFFFD800  }
0xe7: {  	v2 =	vld @!p1 [tilespmem:s26+$0xFFFFFFC0];
	_ =	sdelay $0x4  }
0xe8: {  	[tilespmem:$0x4F00] =	vst @!p1 v2  }
0xe9: {  	v2 =	vld @!p1 [tilespmem:s26+$0xFFFFFFD0];
	_ =	sdelay $0x4  }
0xea: {  	[tilespmem:$0x4F10] =	vst @!p1 v2  }
0xeb: {  	v2 =	vld @!p1 [tilespmem:s26+$0xFFFFFFE0];
	_ =	sdelay $0x4  }
0xec: {  	[tilespmem:$0x4F20] =	vst @!p1 v2  }
0xed: {  	v2 =	vld @!p1 [tilespmem:s26+$0xFFFFFFF0];
	_ =	sdelay $0x4  }
0xee: {  	[tilespmem:$0x4F30] =	vst @!p1 v2  }
0xef: {  	v2 =	vld @!p1 [tilespmem:s26+$0x0];
	_ =	sdelay $0x1  }
0xf0: {  	p2 =	sgt.u32 @!p1 s6, $0x7A  }
0xf1: {  	p3 =	por !p2, p1  }
0xf2: {  	s0 =	simm.s32 @!p3 $0x50  }
0xf3: {  	s1 =	simm.s32 @!p3 $0x4F00;
	s5 =	simm.s32 @!p3 $0x5000;
	s6 =	simm.s32 @!p3 $0x6;
	[tilespmem:$0x4F40] =	vst @!p1 v2  }
0xf4: {  	[spmem:s2] =	stream.indirect.scatter.add.f32 @!p3 [tilespmem:s5], [sflag:$0x6], $0x80, s1, s0, $0xb8;
	[tilespmem:$0x1E580] =	vst v63  }
0xf5: {  	p1 =	por p2, p1;
	_ =	swait.ge @!p3 [sflag:s6], $0x2800  }
0xf6: {  	s0 =	simm.s32 @!p1 $0x50;
	[sflag:s6] =	ssyncset.done @!p3 $0x0  }
0xf7: {  	s1 =	simm.s32 @!p1 $0x4F00;
	s5 =	simm.s32 @!p1 $0x5000;
	[sflag:s6] =	ssyncadd.s32 @!p3 $0xFFFFD800  }
0xf8: {  	[spmem:s2] =	stream.indirect.scatter.add.f32 @!p1 [tilespmem:s5], [sflag:$0x3], $0x80, s1, s0, $0xb8;
	[tilespmem:$0x1E580] =	vst v63  }
0xf9: {  	_ =	swait.ge [sflag:s22], $0x2800  }
0xfa: {  	[sflag:s22] =	ssyncset.done $0x0  }
0xfb: {  	[sflag:s22] =	ssyncadd.s32 $0xFFFFD800  }
0xfc: {  	v2 =	vld [tilespmem:s26+$0x10];
	_ =	sdelay $0x4  }
0xfd: {  	[tilespmem:$0x4F00] =	vst v2  }
0xfe: {  	v2 =	vld [tilespmem:s26+$0x20];
	_ =	sdelay $0x4  }
0xff: {  	[tilespmem:$0x4F10] =	vst v2  }
0x100: {  	v2 =	vld [tilespmem:s26+$0x30];
	_ =	sdelay $0x4  }
0x101: {  	[tilespmem:$0x4F20] =	vst v2  }
0x102: {  	v2 =	vld [tilespmem:s26+$0x40];
	_ =	sdelay $0x4  }
0x103: {  	[tilespmem:$0x4F30] =	vst v2  }
0x104: {  	v2 =	vld [tilespmem:s26+$0x50];
	_ =	sdelay $0x4  }
0x105: {  	[tilespmem:$0x4F40] =	vst v2  }
0x106: {  	[spmem:s2] =	stream.indirect.scatter.add.f32 [tilespmem:s20], [sflag:$0x6], $0x80, s23, s19, $0xb8;
	[tilespmem:$0x1E580] =	vst v63  }
0x107: {  	_ =	swait.ge [sflag:s24], $0x2800  }
0x108: {  	[sflag:s24] =	ssyncset.done $0x0  }
0x109: {  	[sflag:s24] =	ssyncadd.s32 $0xFFFFD800  }
0x10a: {  	s0 =	sshrl.u32 @p0 s8, $0x3;
	[bflag:$0x0] =	sbarrier.arrive $0xFFFF  }
0x10b: {  	[hbm:s12], [sflag:s16] =	dma.local @p0 [spmem:s0], $0x2800  }
0x10c: {  	s0 =	simm.s32 @p0 $0x5  }
0x10d: {  	_ =	swait.ge @p0 [sflag:s0], $0x2800  }
0x10e: {  	[sflag:s0] =	ssyncset.done @p0 $0x0  }
0x10f: {  	[sflag:s0] =	ssyncadd.s32 @p0 $0xFFFFD800;
	s0 =	sshrl.u32 @!p0 s8, $0x3  }
0x110: {  	[hbm:s10], [sflag:s16] =	dma.local @!p0 [spmem:s0], $0x2800  }
0x111: {  	s0 =	simm.s32 @!p0 $0x5  }
0x112: {  	s25 =	sadd.s32 $0x1, s25;
	_ =	swait.ge @!p0 [sflag:s0], $0x2800  }
0x113: {  	p1 =	sne.s32 s25, s13;
	[sflag:s0] =	ssyncset.done @!p0 $0x0  }
.Ltmp1:
0x114: {  	s1 =	sshrl.u32 @!p0 s9, $0x3;
	[sflag:s0] =	ssyncadd.s32 @!p0 $0xFFFFD800;
	(pc) =	sbr.rel @p1 .LBB2_1-.Ltmp1, $4  }
0x115: {  	[hbm:s11], [sflag:s16] =	dma.local @!p0 [spmem:s1], $0x50  }
0x116: {  	_ =	swait.ge @!p0 [sflag:s0], $0x50  }
0x117: {  	[sflag:s0] =	ssyncset.done @!p0 $0x0  }
0x118: {  	[sflag:s0] =	ssyncadd.s32 @!p0 $0xFFFFFFB0  }
0x119: {  	_ =	sfence.sel $0x180000  }
0x11a: {  	[bflag:$0x0] =	sbarrier.arrive $0xFFFF  }
0x11b: {  	_ =	strace $0x9000004A  }
0x11c: {  	s0 =	stileid.u32;
	[bflag:$0x2] =	sbarrier.arrive $0xFFFF  }
0x11d: {  	p0 =	sne.s32 s0, $0x0;
	s0 =	rddreg [dreg:$0x4]  }
0x11e: {  	s0 =	sadd.s32 @!p0 $0x100000, s0  }
0x11f: {  	[sflag:s0] =	ssyncadd.tile.s32 @!p0 $0x1;
	_ =	shalt  }
.Lfunc_end2:
_tile_overlayer_lowered:
.L_overlay_start_2:
0x120: {  	(tag) =	ssettag $0x2  }
0x121: {  	s0 =	rddreg [dreg:$0x0];
	s2 =	stileid.u32  }
0x122: {  	s1 =	rddreg [dreg:$0x1];
	p0 =	sne.s32 s2, $0x0  }
0x123: {  	s3 =	rddreg [dreg:$0x2];
	[bflag:$0x3] =	sbarrier.arrive $0xFFFF;
	s2 =	simm.s32 @!p0 $0x1C05  }
0x124: {  	[timem:s3], [sflag:s2] =	dma.local @!p0 [hbm:s0], s1  }
0x125: {  	s0 =	simm.s32 @!p0 $0x5  }
0x126: {  	_ =	swait.ge @!p0 [sflag:s0], s1  }
0x127: {  	s1 =	ssub.s32 @!p0 $0x0, s1;
	[sflag:s0] =	ssyncset.done @!p0 $0x0  }
0x128: {  	[sflag:s0] =	ssyncadd.s32 @!p0 s1  }
0x129: {  	[bflag:$0x3] =	sbarrier.arrive $0xFFFF  }
0x12a: {  	_ =	shalt  }

</sc_bundles>
